<compile_context>
chip_gen: v7x
topology: tpu7x:2x2x1
jax: 0.10.2.dev20260603
libtpu: 0.0.44.dev20260713+nightly
codegen_flags: <defaults>
</compile_context>

<pallas_src>
import jax
import jax.numpy as jnp
from jax import lax
from jax.experimental import pallas as pl
from jax.experimental.pallas import tpu as pltpu
from jax.experimental.pallas import tpu_sc as plsc

B, N, P, D = 64, 16384, 64, 34
L = 16
NC, NS = 2, 16
NW = NC * NS
IPW = B // NW
PG = P // L


def _image_loss(gts_v, preds_v):
    zero = jnp.zeros((L,), jnp.float32)
    init = (tuple(zero for _ in range(PG)), tuple(zero for _ in range(PG)))

    @plsc.parallel_loop(0, D, carry=init, unroll=2)
    def final(d, carry):
        errs, vaccs = carry
        r = d * 3
        ne, nv = [], []
        for g in range(PG):
            s = pl.ds(g * L, L)
            val = gts_v[r, s]
            pif = gts_v[r + 1, s]
            flg = gts_v[r + 2, s]
            prd = plsc.load_gather(preds_v, [pif.astype(jnp.int32)])
            m = flg > 0.0
            ne.append(errs[g] + jnp.where(m, jnp.abs(prd - val), 0.0))
            nv.append(jnp.maximum(vaccs[g], flg))
        return tuple(ne), tuple(nv)

    errs, vaccs = final
    npeople = jnp.zeros((L,), jnp.int32)
    for g in range(PG):
        npeople = npeople + plsc.all_reduce_population_count(vaccs[g] > 0.0)
    total = jnp.sum(errs[0] + errs[1] + errs[2] + errs[3])
    return total / jnp.maximum(npeople.astype(jnp.float32), 1.0)


def _body(preds_hbm, gts_hbm, out_hbm,
          preds_v0, gts_v0, preds_v1, gts_v1,
          res_v, shared_res, pack_v, out_v, sem):
    cid = lax.axis_index("c")
    sid = lax.axis_index("s")
    wid = cid * NS + sid
    i0 = wid * IPW
    lane = lax.iota(jnp.int32, L)
    cg0 = pltpu.async_copy(gts_hbm.at[:, i0], gts_v0, sem)
    cp0 = pltpu.async_copy(preds_hbm.at[i0], preds_v0, sem)
    cg1 = pltpu.async_copy(gts_hbm.at[:, i0 + 1], gts_v1, sem)
    cp1 = pltpu.async_copy(preds_hbm.at[i0 + 1], preds_v1, sem)
    cg0.wait()
    cp0.wait()
    loss0 = _image_loss(gts_v0, preds_v0)
    cg1.wait()
    cp1.wait()
    loss1 = _image_loss(gts_v1, preds_v1)
    l0 = (2 * sid) % L
    res = jnp.where(lane == l0, loss0, jnp.where(lane == l0 + 1, loss1, 0.0))
    res_v[...] = res
    pltpu.sync_copy(res_v, shared_res.at[pl.ds(sid * L, L)])
    plsc.subcore_barrier()

    @pl.when(sid == 0)
    def _():
        pltpu.sync_copy(shared_res, pack_v)
        for k in range(2):
            acc = jnp.zeros((L,), jnp.float32)
            for s in range(NS // 2):
                acc = acc + pack_v[pl.ds((k * (NS // 2) + s) * L, L)]
            out_v[pl.ds(k * L, L)] = acc
        pltpu.sync_copy(out_v, out_hbm.at[pl.ds(cid * (NS * IPW), NS * IPW)])


def kernel(preds, gts):
    gts_t = jnp.transpose(gts, (2, 3, 0, 1)).reshape(D * 3, B, P)
    mesh = plsc.VectorSubcoreMesh(core_axis_name="c", subcore_axis_name="s")
    f = pl.kernel(
        _body,
        mesh=mesh,
        out_type=jax.ShapeDtypeStruct((B,), jnp.float32),
        scratch_types=[
            pltpu.VMEM((N,), jnp.float32),
            pltpu.VMEM((D * 3, P), jnp.float32),
            pltpu.VMEM((N,), jnp.float32),
            pltpu.VMEM((D * 3, P), jnp.float32),
            pltpu.VMEM((L,), jnp.float32),
            pltpu.VMEM_SHARED((NS * L,), jnp.float32),
            pltpu.VMEM((NS * L,), jnp.float32),
            pltpu.VMEM((NS * IPW,), jnp.float32),
            pltpu.SemaphoreType.DMA,
        ],
        compiler_params=pltpu.CompilerParams(
            needs_layout_passes=False,
            skip_device_barrier=True,
        ),
    )
    return f(preds, gts_t)

# --- scband reference (transcript-rebuilt; emitter-appended) ---
"""Pipeline reference for scband-reg-l1-loss-46188078301464 (READ-ONLY COPY).

The authoritative reference and input builder live on the scoring server;
editing this copy changes nothing except your own understanding.
"""

import jax, jax.numpy as jnp
import numpy as np


def setup_inputs(seed: int = 0) -> dict:
    key = jax.random.key(seed)
    k1, k2 = jax.random.split(key)
    B, N, P, D = 64, 16384, 64, 34
    preds = jax.random.normal(k1, (B, N), dtype=jnp.float32)
    # gts[..., 0] = gt value, gts[..., 1] = index into preds (floor -> int),
    # gts[..., 2] = validity flag (>0 means valid). uniform[0,1) => all flags
    # positive and all indices floor to 0, matching the torch harness fill.
    gts = jax.random.uniform(k2, (B, P, D, 3), dtype=jnp.float32)
    return {"preds": preds, "gts": gts}


def reference(preds, gts):
    # Faithful vectorized translation of RegL1Loss.forward.
    # For each image i, each person p, each dim d with flag gts[i,p,d,2] > 0:
    #   accumulate |preds[i, int(gts[i,p,d,1])] - gts[i,p,d,0]|
    # loss_i = sum over valid entries / (number of people with >=1 valid dim)
    B, P, D, _ = gts.shape
    idx = jax.lax.stop_gradient(gts[..., 1]).astype(jnp.int32)  # [B, P, D]
    gathered = jnp.take_along_axis(preds, idx.reshape(B, P * D), axis=1)
    gathered = gathered.reshape(B, P, D)
    gt_vals = gts[..., 0]
    valid = gts[..., 2] > 0                       # [B, P, D]
    mask = valid.astype(jnp.float32)
    person_valid = jnp.any(valid, axis=2)         # [B, P]
    num_people = jnp.sum(person_valid, axis=1).astype(jnp.float32)  # [B]
    abs_err = jnp.abs(gathered - gt_vals) * mask
    per_img = jnp.sum(abs_err, axis=(1, 2)) / jnp.maximum(num_people, 1.0)
    return per_img

if __name__ == "__main__":
    import jax
    _d = setup_inputs()
    print(jax.jit(kernel)(*tuple(_d.values())))

</pallas_src>

<mosaic_0001>
#map = affine_map<(d0, d1) -> (0, 0)>
#map1 = affine_map<(d0, d1) -> (0, 0, 0)>
#map2 = affine_map<(d0, d1) -> (0)>
module attributes {stable_mosaic.version = 14 : i64} {
  func.func @_body(%arg0: i32, %arg1: i32, %arg2: memref<64x16384xf32, #tpu.memory_space<hbm>>, %arg3: memref<102x64x64xf32, #tpu.memory_space<hbm>>, %arg4: memref<64xf32, #tpu.memory_space<hbm>>, %arg5: memref<16384xf32, #tpu.memory_space<vmem>>, %arg6: memref<102x64xf32, #tpu.memory_space<vmem>>, %arg7: memref<16384xf32, #tpu.memory_space<vmem>>, %arg8: memref<102x64xf32, #tpu.memory_space<vmem>>, %arg9: memref<16xf32, #tpu.memory_space<vmem>>, %arg10: memref<256xf32, #tpu.memory_space<vmem_shared>>, %arg11: memref<256xf32, #tpu.memory_space<vmem>>, %arg12: memref<32xf32, #tpu.memory_space<vmem>>, %arg13: memref<!tpu.dma_semaphore, #tpu.memory_space<semaphore_mem>>) attributes {dimension_semantics = [#tpu.dimension_semantics<core_parallel>, #tpu.dimension_semantics<subcore_parallel>], iteration_bounds = array<i64: 2, 16>, scalar_prefetch = 0 : i64, scratch_operands = 9 : i64, tpu.core_type = #tpu.core_type<sc_vector_subcore>, window_params = [{transform_indices = #map}, {transform_indices = #map1}, {transform_indices = #map2}]} {
    %mul3A = arith.constant 16 : i32
    %mul3A_0 = arith.muli %arg0, %mul3A : i32
    %add3A = arith.addi %mul3A_0, %arg1 : i32
    %mul3A_1 = arith.constant 2 : i32
    %mul3A_2 = arith.muli %add3A, %mul3A_1 : i32
    %iota3A = tpu.iota {dimensions = array<i32: 0>} : vector<16xi32>
    %dma_start3A = arith.constant 0 : i32
    %dma_start3A_3 = arith.constant 0 : i32
    %dma_start3A_4 = tpu.memref_slice %arg3[%dma_start3A, %mul3A_2, %dma_start3A_3] : memref<102x64x64xf32, #tpu.memory_space<hbm>> -> memref<102x1x64xf32, #tpu.memory_space<hbm>>
    %dma_start3A_5 = tpu.memref_squeeze %dma_start3A_4 : memref<102x1x64xf32, #tpu.memory_space<hbm>> -> memref<102x64xf32, #tpu.memory_space<hbm>>
    %dma_start3A_6 = arith.constant 0 : i32
    %dma_start3A_7 = arith.constant 0 : i32
    %dma_start3A_8 = tpu.memref_slice %arg3[%dma_start3A_6, %mul3A_2, %dma_start3A_7] : memref<102x64x64xf32, #tpu.memory_space<hbm>> -> memref<102x1x64xf32, #tpu.memory_space<hbm>>
    %dma_start3A_9 = tpu.memref_squeeze %dma_start3A_8 : memref<102x1x64xf32, #tpu.memory_space<hbm>> -> memref<102x64xf32, #tpu.memory_space<hbm>>
    tpu.enqueue_dma source(%dma_start3A_9 : memref<102x64xf32, #tpu.memory_space<hbm>>) target(%arg6 : memref<102x64xf32, #tpu.memory_space<vmem>>) target_semaphore(%arg13 : memref<!tpu.dma_semaphore, #tpu.memory_space<semaphore_mem>>)
    %dma_start3A_10 = arith.constant 0 : i32
    %dma_start3A_11 = tpu.memref_slice %arg2[%mul3A_2, %dma_start3A_10] : memref<64x16384xf32, #tpu.memory_space<hbm>> -> memref<1x16384xf32, #tpu.memory_space<hbm>>
    %dma_start3A_12 = tpu.memref_squeeze %dma_start3A_11 : memref<1x16384xf32, #tpu.memory_space<hbm>> -> memref<16384xf32, #tpu.memory_space<hbm>>
    %dma_start3A_13 = arith.constant 0 : i32
    %dma_start3A_14 = tpu.memref_slice %arg2[%mul3A_2, %dma_start3A_13] : memref<64x16384xf32, #tpu.memory_space<hbm>> -> memref<1x16384xf32, #tpu.memory_space<hbm>>
    %dma_start3A_15 = tpu.memref_squeeze %dma_start3A_14 : memref<1x16384xf32, #tpu.memory_space<hbm>> -> memref<16384xf32, #tpu.memory_space<hbm>>
    tpu.enqueue_dma source(%dma_start3A_15 : memref<16384xf32, #tpu.memory_space<hbm>>) target(%arg5 : memref<16384xf32, #tpu.memory_space<vmem>>) target_semaphore(%arg13 : memref<!tpu.dma_semaphore, #tpu.memory_space<semaphore_mem>>)
    %add3A_16 = arith.constant 1 : i32
    %add3A_17 = arith.addi %mul3A_2, %add3A_16 : i32
    %dma_start3A_18 = arith.constant 0 : i32
    %dma_start3A_19 = arith.constant 0 : i32
    %dma_start3A_20 = tpu.memref_slice %arg3[%dma_start3A_18, %add3A_17, %dma_start3A_19] : memref<102x64x64xf32, #tpu.memory_space<hbm>> -> memref<102x1x64xf32, #tpu.memory_space<hbm>>
    %dma_start3A_21 = tpu.memref_squeeze %dma_start3A_20 : memref<102x1x64xf32, #tpu.memory_space<hbm>> -> memref<102x64xf32, #tpu.memory_space<hbm>>
    %dma_start3A_22 = arith.constant 0 : i32
    %dma_start3A_23 = arith.constant 0 : i32
    %dma_start3A_24 = tpu.memref_slice %arg3[%dma_start3A_22, %add3A_17, %dma_start3A_23] : memref<102x64x64xf32, #tpu.memory_space<hbm>> -> memref<102x1x64xf32, #tpu.memory_space<hbm>>
    %dma_start3A_25 = tpu.memref_squeeze %dma_start3A_24 : memref<102x1x64xf32, #tpu.memory_space<hbm>> -> memref<102x64xf32, #tpu.memory_space<hbm>>
    tpu.enqueue_dma source(%dma_start3A_25 : memref<102x64xf32, #tpu.memory_space<hbm>>) target(%arg8 : memref<102x64xf32, #tpu.memory_space<vmem>>) target_semaphore(%arg13 : memref<!tpu.dma_semaphore, #tpu.memory_space<semaphore_mem>>)
    %add3A_26 = arith.constant 1 : i32
    %add3A_27 = arith.addi %mul3A_2, %add3A_26 : i32
    %dma_start3A_28 = arith.constant 0 : i32
    %dma_start3A_29 = tpu.memref_slice %arg2[%add3A_27, %dma_start3A_28] : memref<64x16384xf32, #tpu.memory_space<hbm>> -> memref<1x16384xf32, #tpu.memory_space<hbm>>
    %dma_start3A_30 = tpu.memref_squeeze %dma_start3A_29 : memref<1x16384xf32, #tpu.memory_space<hbm>> -> memref<16384xf32, #tpu.memory_space<hbm>>
    %dma_start3A_31 = arith.constant 0 : i32
    %dma_start3A_32 = tpu.memref_slice %arg2[%add3A_27, %dma_start3A_31] : memref<64x16384xf32, #tpu.memory_space<hbm>> -> memref<1x16384xf32, #tpu.memory_space<hbm>>
    %dma_start3A_33 = tpu.memref_squeeze %dma_start3A_32 : memref<1x16384xf32, #tpu.memory_space<hbm>> -> memref<16384xf32, #tpu.memory_space<hbm>>
    tpu.enqueue_dma source(%dma_start3A_33 : memref<16384xf32, #tpu.memory_space<hbm>>) target(%arg7 : memref<16384xf32, #tpu.memory_space<vmem>>) target_semaphore(%arg13 : memref<!tpu.dma_semaphore, #tpu.memory_space<semaphore_mem>>)
    %dma_wait3A = arith.constant 0 : i32
    %dma_wait3A_34 = arith.constant 0 : i32
    %dma_wait3A_35 = tpu.memref_slice %arg3[%dma_wait3A, %mul3A_2, %dma_wait3A_34] : memref<102x64x64xf32, #tpu.memory_space<hbm>> -> memref<102x1x64xf32, #tpu.memory_space<hbm>>
    %dma_wait3A_36 = tpu.memref_squeeze %dma_wait3A_35 : memref<102x1x64xf32, #tpu.memory_space<hbm>> -> memref<102x64xf32, #tpu.memory_space<hbm>>
    %dma_wait3A_37 = arith.constant 0 : i32
    %dma_wait3A_38 = arith.constant 0 : i32
    %dma_wait3A_39 = tpu.memref_slice %arg3[%dma_wait3A_37, %mul3A_2, %dma_wait3A_38] : memref<102x64x64xf32, #tpu.memory_space<hbm>> -> memref<102x1x64xf32, #tpu.memory_space<hbm>>
    %dma_wait3A_40 = tpu.memref_squeeze %dma_wait3A_39 : memref<102x1x64xf32, #tpu.memory_space<hbm>> -> memref<102x64xf32, #tpu.memory_space<hbm>>
    tpu.wait_dma2 semaphore(%arg13 : memref<!tpu.dma_semaphore, #tpu.memory_space<semaphore_mem>>) src(%dma_wait3A_40 : memref<102x64xf32, #tpu.memory_space<hbm>>) dst(%arg6 : memref<102x64xf32, #tpu.memory_space<vmem>>)
    %dma_wait3A_41 = arith.constant 0 : i32
    %dma_wait3A_42 = tpu.memref_slice %arg2[%mul3A_2, %dma_wait3A_41] : memref<64x16384xf32, #tpu.memory_space<hbm>> -> memref<1x16384xf32, #tpu.memory_space<hbm>>
    %dma_wait3A_43 = tpu.memref_squeeze %dma_wait3A_42 : memref<1x16384xf32, #tpu.memory_space<hbm>> -> memref<16384xf32, #tpu.memory_space<hbm>>
    %dma_wait3A_44 = arith.constant 0 : i32
    %dma_wait3A_45 = tpu.memref_slice %arg2[%mul3A_2, %dma_wait3A_44] : memref<64x16384xf32, #tpu.memory_space<hbm>> -> memref<1x16384xf32, #tpu.memory_space<hbm>>
    %dma_wait3A_46 = tpu.memref_squeeze %dma_wait3A_45 : memref<1x16384xf32, #tpu.memory_space<hbm>> -> memref<16384xf32, #tpu.memory_space<hbm>>
    tpu.wait_dma2 semaphore(%arg13 : memref<!tpu.dma_semaphore, #tpu.memory_space<semaphore_mem>>) src(%dma_wait3A_46 : memref<16384xf32, #tpu.memory_space<hbm>>) dst(%arg5 : memref<16384xf32, #tpu.memory_space<vmem>>)
    %broadcast_in_dim3A = arith.constant 0.000000e+00 : f32
    %broadcast_in_dim3A_47 = vector.broadcast %broadcast_in_dim3A : f32 to vector<16xf32>
    %parallel_loop3A = arith.constant 0 : i32
    %parallel_loop3A_48 = arith.constant 34 : i32
    %parallel_loop3A_49 = arith.constant 1 : i32
    %parallel_loop3A_50:8 = scf.for %parallel_loop3A_163 = %parallel_loop3A to %parallel_loop3A_48 step %parallel_loop3A_49 iter_args(%parallel_loop3A_164 = %broadcast_in_dim3A_47, %parallel_loop3A_165 = %broadcast_in_dim3A_47, %parallel_loop3A_166 = %broadcast_in_dim3A_47, %parallel_loop3A_167 = %broadcast_in_dim3A_47, %parallel_loop3A_168 = %broadcast_in_dim3A_47, %parallel_loop3A_169 = %broadcast_in_dim3A_47, %parallel_loop3A_170 = %broadcast_in_dim3A_47, %parallel_loop3A_171 = %broadcast_in_dim3A_47) -> (vector<16xf32>, vector<16xf32>, vector<16xf32>, vector<16xf32>, vector<16xf32>, vector<16xf32>, vector<16xf32>, vector<16xf32>)  : i32 {
      %parallel_loop3A_172 = arith.constant 3 : i32
      %parallel_loop3A_173 = arith.muli %parallel_loop3A_163, %parallel_loop3A_172 : i32
      %parallel_loop3A_174 = arith.index_cast %parallel_loop3A_173 : i32 to index
      %parallel_loop3A_175 = arith.constant 0 : index
      %parallel_loop3A_176 = tpu.vector_load %arg6[%parallel_loop3A_174, %parallel_loop3A_175] {strides = array<i32>} : memref<102x64xf32, #tpu.memory_space<vmem>>, vector<16xf32>,
      %parallel_loop3A_177 = arith.constant 1 : i32
      %parallel_loop3A_178 = arith.addi %parallel_loop3A_173, %parallel_loop3A_177 : i32
      %parallel_loop3A_179 = arith.index_cast %parallel_loop3A_178 : i32 to index
      %parallel_loop3A_180 = arith.constant 0 : index
      %parallel_loop3A_181 = tpu.vector_load %arg6[%parallel_loop3A_179, %parallel_loop3A_180] {strides = array<i32>} : memref<102x64xf32, #tpu.memory_space<vmem>>, vector<16xf32>,
      %parallel_loop3A_182 = arith.constant 2 : i32
      %parallel_loop3A_183 = arith.addi %parallel_loop3A_173, %parallel_loop3A_182 : i32
      %parallel_loop3A_184 = arith.index_cast %parallel_loop3A_183 : i32 to index
      %parallel_loop3A_185 = arith.constant 0 : index
      %parallel_loop3A_186 = tpu.vector_load %arg6[%parallel_loop3A_184, %parallel_loop3A_185] {strides = array<i32>} : memref<102x64xf32, #tpu.memory_space<vmem>>, vector<16xf32>,
      %parallel_loop3A_187 = arith.fptosi %parallel_loop3A_181 : vector<16xf32> to vector<16xi32>
      %parallel_loop3A_188 = tpu.vector_load_idx %arg5[%parallel_loop3A_187] : memref<16384xf32, #tpu.memory_space<vmem>>[vector<16xi32>], vector<16xf32>,
      %parallel_loop3A_189 = arith.constant 0.000000e+00 : f32
      %parallel_loop3A_190 = vector.broadcast %parallel_loop3A_189 : f32 to vector<16xf32>
      %parallel_loop3A_191 = arith.cmpf ogt, %parallel_loop3A_186, %parallel_loop3A_190 : vector<16xf32>
      %parallel_loop3A_192 = arith.subf %parallel_loop3A_188, %parallel_loop3A_176 : vector<16xf32>
      %parallel_loop3A_193 = math.absf %parallel_loop3A_192 : vector<16xf32>
      %parallel_loop3A_194 = arith.constant 0.000000e+00 : f32
      %parallel_loop3A_195 = vector.broadcast %parallel_loop3A_194 : f32 to vector<16xf32>
      %parallel_loop3A_196 = arith.select %parallel_loop3A_191, %parallel_loop3A_193, %parallel_loop3A_195 : vector<16xi1>, vector<16xf32>
      %parallel_loop3A_197 = arith.addf %parallel_loop3A_164, %parallel_loop3A_196 : vector<16xf32>
      %parallel_loop3A_198 = arith.maximumf %parallel_loop3A_168, %parallel_loop3A_186 : vector<16xf32>
      %parallel_loop3A_199 = arith.index_cast %parallel_loop3A_173 : i32 to index
      %parallel_loop3A_200 = arith.constant 16 : index
      %parallel_loop3A_201 = tpu.vector_load %arg6[%parallel_loop3A_199, %parallel_loop3A_200] {strides = array<i32>} : memref<102x64xf32, #tpu.memory_space<vmem>>, vector<16xf32>,
      %parallel_loop3A_202 = arith.constant 1 : i32
      %parallel_loop3A_203 = arith.addi %parallel_loop3A_173, %parallel_loop3A_202 : i32
      %parallel_loop3A_204 = arith.index_cast %parallel_loop3A_203 : i32 to index
      %parallel_loop3A_205 = arith.constant 16 : index
      %parallel_loop3A_206 = tpu.vector_load %arg6[%parallel_loop3A_204, %parallel_loop3A_205] {strides = array<i32>} : memref<102x64xf32, #tpu.memory_space<vmem>>, vector<16xf32>,
      %parallel_loop3A_207 = arith.constant 2 : i32
      %parallel_loop3A_208 = arith.addi %parallel_loop3A_173, %parallel_loop3A_207 : i32
      %parallel_loop3A_209 = arith.index_cast %parallel_loop3A_208 : i32 to index
      %parallel_loop3A_210 = arith.constant 16 : index
      %parallel_loop3A_211 = tpu.vector_load %arg6[%parallel_loop3A_209, %parallel_loop3A_210] {strides = array<i32>} : memref<102x64xf32, #tpu.memory_space<vmem>>, vector<16xf32>,
      %parallel_loop3A_212 = arith.fptosi %parallel_loop3A_206 : vector<16xf32> to vector<16xi32>
      %parallel_loop3A_213 = tpu.vector_load_idx %arg5[%parallel_loop3A_212] : memref<16384xf32, #tpu.memory_space<vmem>>[vector<16xi32>], vector<16xf32>,
      %parallel_loop3A_214 = arith.constant 0.000000e+00 : f32
      %parallel_loop3A_215 = vector.broadcast %parallel_loop3A_214 : f32 to vector<16xf32>
      %parallel_loop3A_216 = arith.cmpf ogt, %parallel_loop3A_211, %parallel_loop3A_215 : vector<16xf32>
      %parallel_loop3A_217 = arith.subf %parallel_loop3A_213, %parallel_loop3A_201 : vector<16xf32>
      %parallel_loop3A_218 = math.absf %parallel_loop3A_217 : vector<16xf32>
      %parallel_loop3A_219 = arith.constant 0.000000e+00 : f32
      %parallel_loop3A_220 = vector.broadcast %parallel_loop3A_219 : f32 to vector<16xf32>
      %parallel_loop3A_221 = arith.select %parallel_loop3A_216, %parallel_loop3A_218, %parallel_loop3A_220 : vector<16xi1>, vector<16xf32>
      %parallel_loop3A_222 = arith.addf %parallel_loop3A_165, %parallel_loop3A_221 : vector<16xf32>
      %parallel_loop3A_223 = arith.maximumf %parallel_loop3A_169, %parallel_loop3A_211 : vector<16xf32>
      %parallel_loop3A_224 = arith.index_cast %parallel_loop3A_173 : i32 to index
      %parallel_loop3A_225 = arith.constant 32 : index
      %parallel_loop3A_226 = tpu.vector_load %arg6[%parallel_loop3A_224, %parallel_loop3A_225] {strides = array<i32>} : memref<102x64xf32, #tpu.memory_space<vmem>>, vector<16xf32>,
      %parallel_loop3A_227 = arith.constant 1 : i32
      %parallel_loop3A_228 = arith.addi %parallel_loop3A_173, %parallel_loop3A_227 : i32
      %parallel_loop3A_229 = arith.index_cast %parallel_loop3A_228 : i32 to index
      %parallel_loop3A_230 = arith.constant 32 : index
      %parallel_loop3A_231 = tpu.vector_load %arg6[%parallel_loop3A_229, %parallel_loop3A_230] {strides = array<i32>} : memref<102x64xf32, #tpu.memory_space<vmem>>, vector<16xf32>,
      %parallel_loop3A_232 = arith.constant 2 : i32
      %parallel_loop3A_233 = arith.addi %parallel_loop3A_173, %parallel_loop3A_232 : i32
      %parallel_loop3A_234 = arith.index_cast %parallel_loop3A_233 : i32 to index
      %parallel_loop3A_235 = arith.constant 32 : index
      %parallel_loop3A_236 = tpu.vector_load %arg6[%parallel_loop3A_234, %parallel_loop3A_235] {strides = array<i32>} : memref<102x64xf32, #tpu.memory_space<vmem>>, vector<16xf32>,
      %parallel_loop3A_237 = arith.fptosi %parallel_loop3A_231 : vector<16xf32> to vector<16xi32>
      %parallel_loop3A_238 = tpu.vector_load_idx %arg5[%parallel_loop3A_237] : memref<16384xf32, #tpu.memory_space<vmem>>[vector<16xi32>], vector<16xf32>,
      %parallel_loop3A_239 = arith.constant 0.000000e+00 : f32
      %parallel_loop3A_240 = vector.broadcast %parallel_loop3A_239 : f32 to vector<16xf32>
      %parallel_loop3A_241 = arith.cmpf ogt, %parallel_loop3A_236, %parallel_loop3A_240 : vector<16xf32>
      %parallel_loop3A_242 = arith.subf %parallel_loop3A_238, %parallel_loop3A_226 : vector<16xf32>
      %parallel_loop3A_243 = math.absf %parallel_loop3A_242 : vector<16xf32>
      %parallel_loop3A_244 = arith.constant 0.000000e+00 : f32
      %parallel_loop3A_245 = vector.broadcast %parallel_loop3A_244 : f32 to vector<16xf32>
      %parallel_loop3A_246 = arith.select %parallel_loop3A_241, %parallel_loop3A_243, %parallel_loop3A_245 : vector<16xi1>, vector<16xf32>
      %parallel_loop3A_247 = arith.addf %parallel_loop3A_166, %parallel_loop3A_246 : vector<16xf32>
      %parallel_loop3A_248 = arith.maximumf %parallel_loop3A_170, %parallel_loop3A_236 : vector<16xf32>
      %parallel_loop3A_249 = arith.index_cast %parallel_loop3A_173 : i32 to index
      %parallel_loop3A_250 = arith.constant 48 : index
      %parallel_loop3A_251 = tpu.vector_load %arg6[%parallel_loop3A_249, %parallel_loop3A_250] {strides = array<i32>} : memref<102x64xf32, #tpu.memory_space<vmem>>, vector<16xf32>,
      %parallel_loop3A_252 = arith.constant 1 : i32
      %parallel_loop3A_253 = arith.addi %parallel_loop3A_173, %parallel_loop3A_252 : i32
      %parallel_loop3A_254 = arith.index_cast %parallel_loop3A_253 : i32 to index
      %parallel_loop3A_255 = arith.constant 48 : index
      %parallel_loop3A_256 = tpu.vector_load %arg6[%parallel_loop3A_254, %parallel_loop3A_255] {strides = array<i32>} : memref<102x64xf32, #tpu.memory_space<vmem>>, vector<16xf32>,
      %parallel_loop3A_257 = arith.constant 2 : i32
      %parallel_loop3A_258 = arith.addi %parallel_loop3A_173, %parallel_loop3A_257 : i32
      %parallel_loop3A_259 = arith.index_cast %parallel_loop3A_258 : i32 to index
      %parallel_loop3A_260 = arith.constant 48 : index
      %parallel_loop3A_261 = tpu.vector_load %arg6[%parallel_loop3A_259, %parallel_loop3A_260] {strides = array<i32>} : memref<102x64xf32, #tpu.memory_space<vmem>>, vector<16xf32>,
      %parallel_loop3A_262 = arith.fptosi %parallel_loop3A_256 : vector<16xf32> to vector<16xi32>
      %parallel_loop3A_263 = tpu.vector_load_idx %arg5[%parallel_loop3A_262] : memref<16384xf32, #tpu.memory_space<vmem>>[vector<16xi32>], vector<16xf32>,
      %parallel_loop3A_264 = arith.constant 0.000000e+00 : f32
      %parallel_loop3A_265 = vector.broadcast %parallel_loop3A_264 : f32 to vector<16xf32>
      %parallel_loop3A_266 = arith.cmpf ogt, %parallel_loop3A_261, %parallel_loop3A_265 : vector<16xf32>
      %parallel_loop3A_267 = arith.subf %parallel_loop3A_263, %parallel_loop3A_251 : vector<16xf32>
      %parallel_loop3A_268 = math.absf %parallel_loop3A_267 : vector<16xf32>
      %parallel_loop3A_269 = arith.constant 0.000000e+00 : f32
      %parallel_loop3A_270 = vector.broadcast %parallel_loop3A_269 : f32 to vector<16xf32>
      %parallel_loop3A_271 = arith.select %parallel_loop3A_266, %parallel_loop3A_268, %parallel_loop3A_270 : vector<16xi1>, vector<16xf32>
      %parallel_loop3A_272 = arith.addf %parallel_loop3A_167, %parallel_loop3A_271 : vector<16xf32>
      %parallel_loop3A_273 = arith.maximumf %parallel_loop3A_171, %parallel_loop3A_261 : vector<16xf32>
      scf.yield %parallel_loop3A_197, %parallel_loop3A_222, %parallel_loop3A_247, %parallel_loop3A_272, %parallel_loop3A_198, %parallel_loop3A_223, %parallel_loop3A_248, %parallel_loop3A_273 : vector<16xf32>, vector<16xf32>, vector<16xf32>, vector<16xf32>, vector<16xf32>, vector<16xf32>, vector<16xf32>, vector<16xf32>
    } {sc.loop_unroll_factor = 2 : i64, sc.parallel_access}
    %broadcast_in_dim3A_51 = arith.constant 0 : i32
    %broadcast_in_dim3A_52 = vector.broadcast %broadcast_in_dim3A_51 : i32 to vector<16xi32>
    %gt3A = arith.constant 0.000000e+00 : f32
    %gt3A_53 = vector.broadcast %gt3A : f32 to vector<16xf32>
    %gt3A_54 = arith.cmpf ogt, %parallel_loop3A_50#4, %gt3A_53 : vector<16xf32>
    %all_reduce_population_count3A = tpu.all_reduce %gt3A_54 {dim = 0 : i64, kind = #tpu.reduction_kind<sum>} : vector<16xi1> -> vector<16xi32>
    %add3A_55 = arith.addi %broadcast_in_dim3A_52, %all_reduce_population_count3A : vector<16xi32>
    %gt3A_56 = arith.constant 0.000000e+00 : f32
    %gt3A_57 = vector.broadcast %gt3A_56 : f32 to vector<16xf32>
    %gt3A_58 = arith.cmpf ogt, %parallel_loop3A_50#5, %gt3A_57 : vector<16xf32>
    %all_reduce_population_count3A_59 = tpu.all_reduce %gt3A_58 {dim = 0 : i64, kind = #tpu.reduction_kind<sum>} : vector<16xi1> -> vector<16xi32>
    %add3A_60 = arith.addi %add3A_55, %all_reduce_population_count3A_59 : vector<16xi32>
    %gt3A_61 = arith.constant 0.000000e+00 : f32
    %gt3A_62 = vector.broadcast %gt3A_61 : f32 to vector<16xf32>
    %gt3A_63 = arith.cmpf ogt, %parallel_loop3A_50#6, %gt3A_62 : vector<16xf32>
    %all_reduce_population_count3A_64 = tpu.all_reduce %gt3A_63 {dim = 0 : i64, kind = #tpu.reduction_kind<sum>} : vector<16xi1> -> vector<16xi32>
    %add3A_65 = arith.addi %add3A_60, %all_reduce_population_count3A_64 : vector<16xi32>
    %gt3A_66 = arith.constant 0.000000e+00 : f32
    %gt3A_67 = vector.broadcast %gt3A_66 : f32 to vector<16xf32>
    %gt3A_68 = arith.cmpf ogt, %parallel_loop3A_50#7, %gt3A_67 : vector<16xf32>
    %all_reduce_population_count3A_69 = tpu.all_reduce %gt3A_68 {dim = 0 : i64, kind = #tpu.reduction_kind<sum>} : vector<16xi1> -> vector<16xi32>
    %add3A_70 = arith.addi %add3A_65, %all_reduce_population_count3A_69 : vector<16xi32>
    %add3A_71 = arith.addf %parallel_loop3A_50#0, %parallel_loop3A_50#1 : vector<16xf32>
    %add3A_72 = arith.addf %add3A_71, %parallel_loop3A_50#2 : vector<16xf32>
    %add3A_73 = arith.addf %add3A_72, %parallel_loop3A_50#3 : vector<16xf32>
    %reduce_sum3A = arith.constant true
    %reduce_sum3A_74 = vector.broadcast %reduce_sum3A : i1 to vector<16xi1>
    %reduce_sum3A_75 = tpu.scan <sum>, %add3A_73 masked %reduce_sum3A_74 : vector<16xf32>, vector<16xi1> -> vector<16xf32>
    %reduce_sum3A_76 = vector.extract %reduce_sum3A_75[15] : f32 from vector<16xf32>
    %convert_element_type3A = arith.sitofp %add3A_70 : vector<16xi32> to vector<16xf32>
    %max3A = arith.constant 1.000000e+00 : f32
    %max3A_77 = vector.broadcast %max3A : f32 to vector<16xf32>
    %max3A_78 = arith.maximumf %convert_element_type3A, %max3A_77 : vector<16xf32>
    %div3A = vector.broadcast %reduce_sum3A_76 : f32 to vector<16xf32>
    %div3A_79 = arith.divf %div3A, %max3A_78 : vector<16xf32>
    %dma_wait3A_80 = arith.constant 0 : i32
    %dma_wait3A_81 = arith.constant 0 : i32
    %dma_wait3A_82 = tpu.memref_slice %arg3[%dma_wait3A_80, %add3A_17, %dma_wait3A_81] : memref<102x64x64xf32, #tpu.memory_space<hbm>> -> memref<102x1x64xf32, #tpu.memory_space<hbm>>
    %dma_wait3A_83 = tpu.memref_squeeze %dma_wait3A_82 : memref<102x1x64xf32, #tpu.memory_space<hbm>> -> memref<102x64xf32, #tpu.memory_space<hbm>>
    %dma_wait3A_84 = arith.constant 0 : i32
    %dma_wait3A_85 = arith.constant 0 : i32
    %dma_wait3A_86 = tpu.memref_slice %arg3[%dma_wait3A_84, %add3A_17, %dma_wait3A_85] : memref<102x64x64xf32, #tpu.memory_space<hbm>> -> memref<102x1x64xf32, #tpu.memory_space<hbm>>
    %dma_wait3A_87 = tpu.memref_squeeze %dma_wait3A_86 : memref<102x1x64xf32, #tpu.memory_space<hbm>> -> memref<102x64xf32, #tpu.memory_space<hbm>>
    tpu.wait_dma2 semaphore(%arg13 : memref<!tpu.dma_semaphore, #tpu.memory_space<semaphore_mem>>) src(%dma_wait3A_87 : memref<102x64xf32, #tpu.memory_space<hbm>>) dst(%arg8 : memref<102x64xf32, #tpu.memory_space<vmem>>)
    %dma_wait3A_88 = arith.constant 0 : i32
    %dma_wait3A_89 = tpu.memref_slice %arg2[%add3A_27, %dma_wait3A_88] : memref<64x16384xf32, #tpu.memory_space<hbm>> -> memref<1x16384xf32, #tpu.memory_space<hbm>>
    %dma_wait3A_90 = tpu.memref_squeeze %dma_wait3A_89 : memref<1x16384xf32, #tpu.memory_space<hbm>> -> memref<16384xf32, #tpu.memory_space<hbm>>
    %dma_wait3A_91 = arith.constant 0 : i32
    %dma_wait3A_92 = tpu.memref_slice %arg2[%add3A_27, %dma_wait3A_91] : memref<64x16384xf32, #tpu.memory_space<hbm>> -> memref<1x16384xf32, #tpu.memory_space<hbm>>
    %dma_wait3A_93 = tpu.memref_squeeze %dma_wait3A_92 : memref<1x16384xf32, #tpu.memory_space<hbm>> -> memref<16384xf32, #tpu.memory_space<hbm>>
    tpu.wait_dma2 semaphore(%arg13 : memref<!tpu.dma_semaphore, #tpu.memory_space<semaphore_mem>>) src(%dma_wait3A_93 : memref<16384xf32, #tpu.memory_space<hbm>>) dst(%arg7 : memref<16384xf32, #tpu.memory_space<vmem>>)
    %broadcast_in_dim3A_94 = arith.constant 0.000000e+00 : f32
    %broadcast_in_dim3A_95 = vector.broadcast %broadcast_in_dim3A_94 : f32 to vector<16xf32>
    %parallel_loop3A_96 = arith.constant 0 : i32
    %parallel_loop3A_97 = arith.constant 34 : i32
    %parallel_loop3A_98 = arith.constant 1 : i32
    %parallel_loop3A_99:8 = scf.for %parallel_loop3A_163 = %parallel_loop3A_96 to %parallel_loop3A_97 step %parallel_loop3A_98 iter_args(%parallel_loop3A_164 = %broadcast_in_dim3A_95, %parallel_loop3A_165 = %broadcast_in_dim3A_95, %parallel_loop3A_166 = %broadcast_in_dim3A_95, %parallel_loop3A_167 = %broadcast_in_dim3A_95, %parallel_loop3A_168 = %broadcast_in_dim3A_95, %parallel_loop3A_169 = %broadcast_in_dim3A_95, %parallel_loop3A_170 = %broadcast_in_dim3A_95, %parallel_loop3A_171 = %broadcast_in_dim3A_95) -> (vector<16xf32>, vector<16xf32>, vector<16xf32>, vector<16xf32>, vector<16xf32>, vector<16xf32>, vector<16xf32>, vector<16xf32>)  : i32 {
      %parallel_loop3A_172 = arith.constant 3 : i32
      %parallel_loop3A_173 = arith.muli %parallel_loop3A_163, %parallel_loop3A_172 : i32
      %parallel_loop3A_174 = arith.index_cast %parallel_loop3A_173 : i32 to index
      %parallel_loop3A_175 = arith.constant 0 : index
      %parallel_loop3A_176 = tpu.vector_load %arg8[%parallel_loop3A_174, %parallel_loop3A_175] {strides = array<i32>} : memref<102x64xf32, #tpu.memory_space<vmem>>, vector<16xf32>,
      %parallel_loop3A_177 = arith.constant 1 : i32
      %parallel_loop3A_178 = arith.addi %parallel_loop3A_173, %parallel_loop3A_177 : i32
      %parallel_loop3A_179 = arith.index_cast %parallel_loop3A_178 : i32 to index
      %parallel_loop3A_180 = arith.constant 0 : index
      %parallel_loop3A_181 = tpu.vector_load %arg8[%parallel_loop3A_179, %parallel_loop3A_180] {strides = array<i32>} : memref<102x64xf32, #tpu.memory_space<vmem>>, vector<16xf32>,
      %parallel_loop3A_182 = arith.constant 2 : i32
      %parallel_loop3A_183 = arith.addi %parallel_loop3A_173, %parallel_loop3A_182 : i32
      %parallel_loop3A_184 = arith.index_cast %parallel_loop3A_183 : i32 to index
      %parallel_loop3A_185 = arith.constant 0 : index
      %parallel_loop3A_186 = tpu.vector_load %arg8[%parallel_loop3A_184, %parallel_loop3A_185] {strides = array<i32>} : memref<102x64xf32, #tpu.memory_space<vmem>>, vector<16xf32>,
      %parallel_loop3A_187 = arith.fptosi %parallel_loop3A_181 : vector<16xf32> to vector<16xi32>
      %parallel_loop3A_188 = tpu.vector_load_idx %arg7[%parallel_loop3A_187] : memref<16384xf32, #tpu.memory_space<vmem>>[vector<16xi32>], vector<16xf32>,
      %parallel_loop3A_189 = arith.constant 0.000000e+00 : f32
      %parallel_loop3A_190 = vector.broadcast %parallel_loop3A_189 : f32 to vector<16xf32>
      %parallel_loop3A_191 = arith.cmpf ogt, %parallel_loop3A_186, %parallel_loop3A_190 : vector<16xf32>
      %parallel_loop3A_192 = arith.subf %parallel_loop3A_188, %parallel_loop3A_176 : vector<16xf32>
      %parallel_loop3A_193 = math.absf %parallel_loop3A_192 : vector<16xf32>
      %parallel_loop3A_194 = arith.constant 0.000000e+00 : f32
      %parallel_loop3A_195 = vector.broadcast %parallel_loop3A_194 : f32 to vector<16xf32>
      %parallel_loop3A_196 = arith.select %parallel_loop3A_191, %parallel_loop3A_193, %parallel_loop3A_195 : vector<16xi1>, vector<16xf32>
      %parallel_loop3A_197 = arith.addf %parallel_loop3A_164, %parallel_loop3A_196 : vector<16xf32>
      %parallel_loop3A_198 = arith.maximumf %parallel_loop3A_168, %parallel_loop3A_186 : vector<16xf32>
      %parallel_loop3A_199 = arith.index_cast %parallel_loop3A_173 : i32 to index
      %parallel_loop3A_200 = arith.constant 16 : index
      %parallel_loop3A_201 = tpu.vector_load %arg8[%parallel_loop3A_199, %parallel_loop3A_200] {strides = array<i32>} : memref<102x64xf32, #tpu.memory_space<vmem>>, vector<16xf32>,
      %parallel_loop3A_202 = arith.constant 1 : i32
      %parallel_loop3A_203 = arith.addi %parallel_loop3A_173, %parallel_loop3A_202 : i32
      %parallel_loop3A_204 = arith.index_cast %parallel_loop3A_203 : i32 to index
      %parallel_loop3A_205 = arith.constant 16 : index
      %parallel_loop3A_206 = tpu.vector_load %arg8[%parallel_loop3A_204, %parallel_loop3A_205] {strides = array<i32>} : memref<102x64xf32, #tpu.memory_space<vmem>>, vector<16xf32>,
      %parallel_loop3A_207 = arith.constant 2 : i32
      %parallel_loop3A_208 = arith.addi %parallel_loop3A_173, %parallel_loop3A_207 : i32
      %parallel_loop3A_209 = arith.index_cast %parallel_loop3A_208 : i32 to index
      %parallel_loop3A_210 = arith.constant 16 : index
      %parallel_loop3A_211 = tpu.vector_load %arg8[%parallel_loop3A_209, %parallel_loop3A_210] {strides = array<i32>} : memref<102x64xf32, #tpu.memory_space<vmem>>, vector<16xf32>,
      %parallel_loop3A_212 = arith.fptosi %parallel_loop3A_206 : vector<16xf32> to vector<16xi32>
      %parallel_loop3A_213 = tpu.vector_load_idx %arg7[%parallel_loop3A_212] : memref<16384xf32, #tpu.memory_space<vmem>>[vector<16xi32>], vector<16xf32>,
      %parallel_loop3A_214 = arith.constant 0.000000e+00 : f32
      %parallel_loop3A_215 = vector.broadcast %parallel_loop3A_214 : f32 to vector<16xf32>
      %parallel_loop3A_216 = arith.cmpf ogt, %parallel_loop3A_211, %parallel_loop3A_215 : vector<16xf32>
      %parallel_loop3A_217 = arith.subf %parallel_loop3A_213, %parallel_loop3A_201 : vector<16xf32>
      %parallel_loop3A_218 = math.absf %parallel_loop3A_217 : vector<16xf32>
      %parallel_loop3A_219 = arith.constant 0.000000e+00 : f32
      %parallel_loop3A_220 = vector.broadcast %parallel_loop3A_219 : f32 to vector<16xf32>
      %parallel_loop3A_221 = arith.select %parallel_loop3A_216, %parallel_loop3A_218, %parallel_loop3A_220 : vector<16xi1>, vector<16xf32>
      %parallel_loop3A_222 = arith.addf %parallel_loop3A_165, %parallel_loop3A_221 : vector<16xf32>
      %parallel_loop3A_223 = arith.maximumf %parallel_loop3A_169, %parallel_loop3A_211 : vector<16xf32>
      %parallel_loop3A_224 = arith.index_cast %parallel_loop3A_173 : i32 to index
      %parallel_loop3A_225 = arith.constant 32 : index
      %parallel_loop3A_226 = tpu.vector_load %arg8[%parallel_loop3A_224, %parallel_loop3A_225] {strides = array<i32>} : memref<102x64xf32, #tpu.memory_space<vmem>>, vector<16xf32>,
      %parallel_loop3A_227 = arith.constant 1 : i32
      %parallel_loop3A_228 = arith.addi %parallel_loop3A_173, %parallel_loop3A_227 : i32
      %parallel_loop3A_229 = arith.index_cast %parallel_loop3A_228 : i32 to index
      %parallel_loop3A_230 = arith.constant 32 : index
      %parallel_loop3A_231 = tpu.vector_load %arg8[%parallel_loop3A_229, %parallel_loop3A_230] {strides = array<i32>} : memref<102x64xf32, #tpu.memory_space<vmem>>, vector<16xf32>,
      %parallel_loop3A_232 = arith.constant 2 : i32
      %parallel_loop3A_233 = arith.addi %parallel_loop3A_173, %parallel_loop3A_232 : i32
      %parallel_loop3A_234 = arith.index_cast %parallel_loop3A_233 : i32 to index
      %parallel_loop3A_235 = arith.constant 32 : index
      %parallel_loop3A_236 = tpu.vector_load %arg8[%parallel_loop3A_234, %parallel_loop3A_235] {strides = array<i32>} : memref<102x64xf32, #tpu.memory_space<vmem>>, vector<16xf32>,
      %parallel_loop3A_237 = arith.fptosi %parallel_loop3A_231 : vector<16xf32> to vector<16xi32>
      %parallel_loop3A_238 = tpu.vector_load_idx %arg7[%parallel_loop3A_237] : memref<16384xf32, #tpu.memory_space<vmem>>[vector<16xi32>], vector<16xf32>,
      %parallel_loop3A_239 = arith.constant 0.000000e+00 : f32
      %parallel_loop3A_240 = vector.broadcast %parallel_loop3A_239 : f32 to vector<16xf32>
      %parallel_loop3A_241 = arith.cmpf ogt, %parallel_loop3A_236, %parallel_loop3A_240 : vector<16xf32>
      %parallel_loop3A_242 = arith.subf %parallel_loop3A_238, %parallel_loop3A_226 : vector<16xf32>
      %parallel_loop3A_243 = math.absf %parallel_loop3A_242 : vector<16xf32>
      %parallel_loop3A_244 = arith.constant 0.000000e+00 : f32
      %parallel_loop3A_245 = vector.broadcast %parallel_loop3A_244 : f32 to vector<16xf32>
      %parallel_loop3A_246 = arith.select %parallel_loop3A_241, %parallel_loop3A_243, %parallel_loop3A_245 : vector<16xi1>, vector<16xf32>
      %parallel_loop3A_247 = arith.addf %parallel_loop3A_166, %parallel_loop3A_246 : vector<16xf32>
      %parallel_loop3A_248 = arith.maximumf %parallel_loop3A_170, %parallel_loop3A_236 : vector<16xf32>
      %parallel_loop3A_249 = arith.index_cast %parallel_loop3A_173 : i32 to index
      %parallel_loop3A_250 = arith.constant 48 : index
      %parallel_loop3A_251 = tpu.vector_load %arg8[%parallel_loop3A_249, %parallel_loop3A_250] {strides = array<i32>} : memref<102x64xf32, #tpu.memory_space<vmem>>, vector<16xf32>,
      %parallel_loop3A_252 = arith.constant 1 : i32
      %parallel_loop3A_253 = arith.addi %parallel_loop3A_173, %parallel_loop3A_252 : i32
      %parallel_loop3A_254 = arith.index_cast %parallel_loop3A_253 : i32 to index
      %parallel_loop3A_255 = arith.constant 48 : index
      %parallel_loop3A_256 = tpu.vector_load %arg8[%parallel_loop3A_254, %parallel_loop3A_255] {strides = array<i32>} : memref<102x64xf32, #tpu.memory_space<vmem>>, vector<16xf32>,
      %parallel_loop3A_257 = arith.constant 2 : i32
      %parallel_loop3A_258 = arith.addi %parallel_loop3A_173, %parallel_loop3A_257 : i32
      %parallel_loop3A_259 = arith.index_cast %parallel_loop3A_258 : i32 to index
      %parallel_loop3A_260 = arith.constant 48 : index
      %parallel_loop3A_261 = tpu.vector_load %arg8[%parallel_loop3A_259, %parallel_loop3A_260] {strides = array<i32>} : memref<102x64xf32, #tpu.memory_space<vmem>>, vector<16xf32>,
      %parallel_loop3A_262 = arith.fptosi %parallel_loop3A_256 : vector<16xf32> to vector<16xi32>
      %parallel_loop3A_263 = tpu.vector_load_idx %arg7[%parallel_loop3A_262] : memref<16384xf32, #tpu.memory_space<vmem>>[vector<16xi32>], vector<16xf32>,
      %parallel_loop3A_264 = arith.constant 0.000000e+00 : f32
      %parallel_loop3A_265 = vector.broadcast %parallel_loop3A_264 : f32 to vector<16xf32>
      %parallel_loop3A_266 = arith.cmpf ogt, %parallel_loop3A_261, %parallel_loop3A_265 : vector<16xf32>
      %parallel_loop3A_267 = arith.subf %parallel_loop3A_263, %parallel_loop3A_251 : vector<16xf32>
      %parallel_loop3A_268 = math.absf %parallel_loop3A_267 : vector<16xf32>
      %parallel_loop3A_269 = arith.constant 0.000000e+00 : f32
      %parallel_loop3A_270 = vector.broadcast %parallel_loop3A_269 : f32 to vector<16xf32>
      %parallel_loop3A_271 = arith.select %parallel_loop3A_266, %parallel_loop3A_268, %parallel_loop3A_270 : vector<16xi1>, vector<16xf32>
      %parallel_loop3A_272 = arith.addf %parallel_loop3A_167, %parallel_loop3A_271 : vector<16xf32>
      %parallel_loop3A_273 = arith.maximumf %parallel_loop3A_171, %parallel_loop3A_261 : vector<16xf32>
      scf.yield %parallel_loop3A_197, %parallel_loop3A_222, %parallel_loop3A_247, %parallel_loop3A_272, %parallel_loop3A_198, %parallel_loop3A_223, %parallel_loop3A_248, %parallel_loop3A_273 : vector<16xf32>, vector<16xf32>, vector<16xf32>, vector<16xf32>, vector<16xf32>, vector<16xf32>, vector<16xf32>, vector<16xf32>
    } {sc.loop_unroll_factor = 2 : i64, sc.parallel_access}
    %broadcast_in_dim3A_100 = arith.constant 0 : i32
    %broadcast_in_dim3A_101 = vector.broadcast %broadcast_in_dim3A_100 : i32 to vector<16xi32>
    %gt3A_102 = arith.constant 0.000000e+00 : f32
    %gt3A_103 = vector.broadcast %gt3A_102 : f32 to vector<16xf32>
    %gt3A_104 = arith.cmpf ogt, %parallel_loop3A_99#4, %gt3A_103 : vector<16xf32>
    %all_reduce_population_count3A_105 = tpu.all_reduce %gt3A_104 {dim = 0 : i64, kind = #tpu.reduction_kind<sum>} : vector<16xi1> -> vector<16xi32>
    %add3A_106 = arith.addi %broadcast_in_dim3A_101, %all_reduce_population_count3A_105 : vector<16xi32>
    %gt3A_107 = arith.constant 0.000000e+00 : f32
    %gt3A_108 = vector.broadcast %gt3A_107 : f32 to vector<16xf32>
    %gt3A_109 = arith.cmpf ogt, %parallel_loop3A_99#5, %gt3A_108 : vector<16xf32>
    %all_reduce_population_count3A_110 = tpu.all_reduce %gt3A_109 {dim = 0 : i64, kind = #tpu.reduction_kind<sum>} : vector<16xi1> -> vector<16xi32>
    %add3A_111 = arith.addi %add3A_106, %all_reduce_population_count3A_110 : vector<16xi32>
    %gt3A_112 = arith.constant 0.000000e+00 : f32
    %gt3A_113 = vector.broadcast %gt3A_112 : f32 to vector<16xf32>
    %gt3A_114 = arith.cmpf ogt, %parallel_loop3A_99#6, %gt3A_113 : vector<16xf32>
    %all_reduce_population_count3A_115 = tpu.all_reduce %gt3A_114 {dim = 0 : i64, kind = #tpu.reduction_kind<sum>} : vector<16xi1> -> vector<16xi32>
    %add3A_116 = arith.addi %add3A_111, %all_reduce_population_count3A_115 : vector<16xi32>
    %gt3A_117 = arith.constant 0.000000e+00 : f32
    %gt3A_118 = vector.broadcast %gt3A_117 : f32 to vector<16xf32>
    %gt3A_119 = arith.cmpf ogt, %parallel_loop3A_99#7, %gt3A_118 : vector<16xf32>
    %all_reduce_population_count3A_120 = tpu.all_reduce %gt3A_119 {dim = 0 : i64, kind = #tpu.reduction_kind<sum>} : vector<16xi1> -> vector<16xi32>
    %add3A_121 = arith.addi %add3A_116, %all_reduce_population_count3A_120 : vector<16xi32>
    %add3A_122 = arith.addf %parallel_loop3A_99#0, %parallel_loop3A_99#1 : vector<16xf32>
    %add3A_123 = arith.addf %add3A_122, %parallel_loop3A_99#2 : vector<16xf32>
    %add3A_124 = arith.addf %add3A_123, %parallel_loop3A_99#3 : vector<16xf32>
    %reduce_sum3A_125 = arith.constant true
    %reduce_sum3A_126 = vector.broadcast %reduce_sum3A_125 : i1 to vector<16xi1>
    %reduce_sum3A_127 = tpu.scan <sum>, %add3A_124 masked %reduce_sum3A_126 : vector<16xf32>, vector<16xi1> -> vector<16xf32>
    %reduce_sum3A_128 = vector.extract %reduce_sum3A_127[15] : f32 from vector<16xf32>
    %convert_element_type3A_129 = arith.sitofp %add3A_121 : vector<16xi32> to vector<16xf32>
    %max3A_130 = arith.constant 1.000000e+00 : f32
    %max3A_131 = vector.broadcast %max3A_130 : f32 to vector<16xf32>
    %max3A_132 = arith.maximumf %convert_element_type3A_129, %max3A_131 : vector<16xf32>
    %div3A_133 = vector.broadcast %reduce_sum3A_128 : f32 to vector<16xf32>
    %div3A_134 = arith.divf %div3A_133, %max3A_132 : vector<16xf32>
    %mul3A_135 = arith.constant 2 : i32
    %mul3A_136 = arith.muli %mul3A_135, %arg1 : i32
    %jit3A = arith.constant 16 : i32
    %eq3A = arith.constant 0 : i32
    %eq3A_137 = arith.cmpi eq, %jit3A, %eq3A : i32
    %jit3A_138 = arith.constant 1 : i32
    %select_n3A = arith.select %eq3A_137, %jit3A_138, %jit3A : i32
    %rem3A = arith.remsi %mul3A_136, %select_n3A : i32
    %ne3A = arith.constant 0 : i32
    %ne3A_139 = arith.cmpi ne, %rem3A, %ne3A : i32
    %lt3A = arith.constant 0 : i32
    %lt3A_140 = arith.cmpi slt, %rem3A, %lt3A : i32
    %lt3A_141 = arith.constant 0 : i32
    %lt3A_142 = arith.cmpi slt, %select_n3A, %lt3A_141 : i32
    %ne3A_143 = arith.xori %lt3A_140, %lt3A_142 : i1
    %and3A = arith.andi %ne3A_143, %ne3A_139 : i1
    %add3A_144 = arith.addi %rem3A, %select_n3A : i32
    %select_n3A_145 = arith.select %and3A, %add3A_144, %rem3A : i32
    %eq3A_146 = vector.broadcast %select_n3A_145 : i32 to vector<16xi32>
    %eq3A_147 = arith.cmpi eq, %iota3A, %eq3A_146 : vector<16xi32>
    %add3A_148 = arith.constant 1 : i32
    %add3A_149 = arith.addi %select_n3A_145, %add3A_148 : i32
    %eq3A_150 = vector.broadcast %add3A_149 : i32 to vector<16xi32>
    %eq3A_151 = arith.cmpi eq, %iota3A, %eq3A_150 : vector<16xi32>
    %jit3A_152 = arith.constant 0.000000e+00 : f32
    %broadcast_in_dim3A_153 = vector.broadcast %jit3A_152 : f32 to vector<16xf32>
    %select_n3A_154 = arith.select %eq3A_151, %div3A_134, %broadcast_in_dim3A_153 : vector<16xi1>, vector<16xf32>
    %select_n3A_155 = arith.select %eq3A_147, %div3A_79, %select_n3A_154 : vector<16xi1>, vector<16xf32>
    %swap3A = arith.constant 0 : index
    %swap3A_156 = tpu.vector_load %arg9[%swap3A] {strides = array<i32>} : memref<16xf32, #tpu.memory_space<vmem>>, vector<16xf32>,
    tpu.vector_store %arg9[%swap3A], %select_n3A_155 {strides = array<i32>} : memref<16xf32, #tpu.memory_space<vmem>>, vector<16xf32>,
    %mul3A_157 = arith.constant 16 : i32
    %mul3A_158 = arith.muli %arg1, %mul3A_157 : i32
    "tpu.region"() ({
      %run_scoped3A = tpu.sem_alloc : memref<!tpu.dma_semaphore, #tpu.memory_space<semaphore_mem>>
      %dma_start3A_163 = tpu.memref_slice %arg10[%mul3A_158] : memref<256xf32, #tpu.memory_space<vmem_shared>> -> memref<16xf32, #tpu.memory_space<vmem_shared>>
      %dma_start3A_164 = tpu.memref_slice %arg10[%mul3A_158] : memref<256xf32, #tpu.memory_space<vmem_shared>> -> memref<16xf32, #tpu.memory_space<vmem_shared>>
      tpu.enqueue_dma source(%arg9 : memref<16xf32, #tpu.memory_space<vmem>>) target(%dma_start3A_164 : memref<16xf32, #tpu.memory_space<vmem_shared>>) target_semaphore(%run_scoped3A : memref<!tpu.dma_semaphore, #tpu.memory_space<semaphore_mem>>)
      %dma_wait3A_165 = tpu.memref_slice %arg10[%mul3A_158] : memref<256xf32, #tpu.memory_space<vmem_shared>> -> memref<16xf32, #tpu.memory_space<vmem_shared>>
      %dma_wait3A_166 = tpu.memref_slice %arg10[%mul3A_158] : memref<256xf32, #tpu.memory_space<vmem_shared>> -> memref<16xf32, #tpu.memory_space<vmem_shared>>
      tpu.wait_dma2 semaphore(%run_scoped3A : memref<!tpu.dma_semaphore, #tpu.memory_space<semaphore_mem>>) src(%arg9 : memref<16xf32, #tpu.memory_space<vmem>>) dst(%dma_wait3A_166 : memref<16xf32, #tpu.memory_space<vmem_shared>>)
      tpu.yield
    }) : () -> ()
    %barrier3A = arith.constant 0 : index
    tpu.barrier barrier_id(%barrier3A)
    %eq3A_159 = arith.constant 0 : i32
    %eq3A_160 = arith.cmpi eq, %arg1, %eq3A_159 : i32
    %convert_element_type3A_161 = arith.extui %eq3A_160 : i1 to i32
    %cond3A = arith.constant 0 : i32
    %cond3A_162 = arith.cmpi ne, %convert_element_type3A_161, %cond3A : i32
    scf.if %cond3A_162 {
      "tpu.region"() ({
        %run_scoped3A = tpu.sem_alloc : memref<!tpu.dma_semaphore, #tpu.memory_space<semaphore_mem>>
        tpu.enqueue_dma source(%arg10 : memref<256xf32, #tpu.memory_space<vmem_shared>>) target(%arg11 : memref<256xf32, #tpu.memory_space<vmem>>) target_semaphore(%run_scoped3A : memref<!tpu.dma_semaphore, #tpu.memory_space<semaphore_mem>>)
        tpu.wait_dma2 semaphore(%run_scoped3A : memref<!tpu.dma_semaphore, #tpu.memory_space<semaphore_mem>>) src(%arg10 : memref<256xf32, #tpu.memory_space<vmem_shared>>) dst(%arg11 : memref<256xf32, #tpu.memory_space<vmem>>)
        tpu.yield
      }) : () -> ()
      %broadcast_in_dim3A_163 = arith.constant 0.000000e+00 : f32
      %broadcast_in_dim3A_164 = vector.broadcast %broadcast_in_dim3A_163 : f32 to vector<16xf32>
      %get3A = arith.constant 0 : index
      %get3A_165 = tpu.vector_load %arg11[%get3A] {strides = array<i32>} : memref<256xf32, #tpu.memory_space<vmem>>, vector<16xf32>,
      %add3A_166 = arith.addf %broadcast_in_dim3A_164, %get3A_165 : vector<16xf32>
      %get3A_167 = arith.constant 16 : index
      %get3A_168 = tpu.vector_load %arg11[%get3A_167] {strides = array<i32>} : memref<256xf32, #tpu.memory_space<vmem>>, vector<16xf32>,
      %add3A_169 = arith.addf %add3A_166, %get3A_168 : vector<16xf32>
      %get3A_170 = arith.constant 32 : index
      %get3A_171 = tpu.vector_load %arg11[%get3A_170] {strides = array<i32>} : memref<256xf32, #tpu.memory_space<vmem>>, vector<16xf32>,
      %add3A_172 = arith.addf %add3A_169, %get3A_171 : vector<16xf32>
      %get3A_173 = arith.constant 48 : index
      %get3A_174 = tpu.vector_load %arg11[%get3A_173] {strides = array<i32>} : memref<256xf32, #tpu.memory_space<vmem>>, vector<16xf32>,
      %add3A_175 = arith.addf %add3A_172, %get3A_174 : vector<16xf32>
      %get3A_176 = arith.constant 64 : index
      %get3A_177 = tpu.vector_load %arg11[%get3A_176] {strides = array<i32>} : memref<256xf32, #tpu.memory_space<vmem>>, vector<16xf32>,
      %add3A_178 = arith.addf %add3A_175, %get3A_177 : vector<16xf32>
      %get3A_179 = arith.constant 80 : index
      %get3A_180 = tpu.vector_load %arg11[%get3A_179] {strides = array<i32>} : memref<256xf32, #tpu.memory_space<vmem>>, vector<16xf32>,
      %add3A_181 = arith.addf %add3A_178, %get3A_180 : vector<16xf32>
      %get3A_182 = arith.constant 96 : index
      %get3A_183 = tpu.vector_load %arg11[%get3A_182] {strides = array<i32>} : memref<256xf32, #tpu.memory_space<vmem>>, vector<16xf32>,
      %add3A_184 = arith.addf %add3A_181, %get3A_183 : vector<16xf32>
      %get3A_185 = arith.constant 112 : index
      %get3A_186 = tpu.vector_load %arg11[%get3A_185] {strides = array<i32>} : memref<256xf32, #tpu.memory_space<vmem>>, vector<16xf32>,
      %add3A_187 = arith.addf %add3A_184, %get3A_186 : vector<16xf32>
      %swap3A_188 = arith.constant 0 : index
      %swap3A_189 = tpu.vector_load %arg12[%swap3A_188] {strides = array<i32>} : memref<32xf32, #tpu.memory_space<vmem>>, vector<16xf32>,
      tpu.vector_store %arg12[%swap3A_188], %add3A_187 {strides = array<i32>} : memref<32xf32, #tpu.memory_space<vmem>>, vector<16xf32>,
      %broadcast_in_dim3A_190 = arith.constant 0.000000e+00 : f32
      %broadcast_in_dim3A_191 = vector.broadcast %broadcast_in_dim3A_190 : f32 to vector<16xf32>
      %get3A_192 = arith.constant 128 : index
      %get3A_193 = tpu.vector_load %arg11[%get3A_192] {strides = array<i32>} : memref<256xf32, #tpu.memory_space<vmem>>, vector<16xf32>,
      %add3A_194 = arith.addf %broadcast_in_dim3A_191, %get3A_193 : vector<16xf32>
      %get3A_195 = arith.constant 144 : index
      %get3A_196 = tpu.vector_load %arg11[%get3A_195] {strides = array<i32>} : memref<256xf32, #tpu.memory_space<vmem>>, vector<16xf32>,
      %add3A_197 = arith.addf %add3A_194, %get3A_196 : vector<16xf32>
      %get3A_198 = arith.constant 160 : index
      %get3A_199 = tpu.vector_load %arg11[%get3A_198] {strides = array<i32>} : memref<256xf32, #tpu.memory_space<vmem>>, vector<16xf32>,
      %add3A_200 = arith.addf %add3A_197, %get3A_199 : vector<16xf32>
      %get3A_201 = arith.constant 176 : index
      %get3A_202 = tpu.vector_load %arg11[%get3A_201] {strides = array<i32>} : memref<256xf32, #tpu.memory_space<vmem>>, vector<16xf32>,
      %add3A_203 = arith.addf %add3A_200, %get3A_202 : vector<16xf32>
      %get3A_204 = arith.constant 192 : index
      %get3A_205 = tpu.vector_load %arg11[%get3A_204] {strides = array<i32>} : memref<256xf32, #tpu.memory_space<vmem>>, vector<16xf32>,
      %add3A_206 = arith.addf %add3A_203, %get3A_205 : vector<16xf32>
      %get3A_207 = arith.constant 208 : index
      %get3A_208 = tpu.vector_load %arg11[%get3A_207] {strides = array<i32>} : memref<256xf32, #tpu.memory_space<vmem>>, vector<16xf32>,
      %add3A_209 = arith.addf %add3A_206, %get3A_208 : vector<16xf32>
      %get3A_210 = arith.constant 224 : index
      %get3A_211 = tpu.vector_load %arg11[%get3A_210] {strides = array<i32>} : memref<256xf32, #tpu.memory_space<vmem>>, vector<16xf32>,
      %add3A_212 = arith.addf %add3A_209, %get3A_211 : vector<16xf32>
      %get3A_213 = arith.constant 240 : index
      %get3A_214 = tpu.vector_load %arg11[%get3A_213] {strides = array<i32>} : memref<256xf32, #tpu.memory_space<vmem>>, vector<16xf32>,
      %add3A_215 = arith.addf %add3A_212, %get3A_214 : vector<16xf32>
      %swap3A_216 = arith.constant 16 : index
      %swap3A_217 = tpu.vector_load %arg12[%swap3A_216] {strides = array<i32>} : memref<32xf32, #tpu.memory_space<vmem>>, vector<16xf32>,
      tpu.vector_store %arg12[%swap3A_216], %add3A_215 {strides = array<i32>} : memref<32xf32, #tpu.memory_space<vmem>>, vector<16xf32>,
      %mul3A_218 = arith.constant 32 : i32
      %mul3A_219 = arith.muli %arg0, %mul3A_218 : i32
      "tpu.region"() ({
        %run_scoped3A = tpu.sem_alloc : memref<!tpu.dma_semaphore, #tpu.memory_space<semaphore_mem>>
        %dma_start3A_220 = tpu.memref_slice %arg4[%mul3A_219] : memref<64xf32, #tpu.memory_space<hbm>> -> memref<32xf32, #tpu.memory_space<hbm>>
        %dma_start3A_221 = tpu.memref_slice %arg4[%mul3A_219] : memref<64xf32, #tpu.memory_space<hbm>> -> memref<32xf32, #tpu.memory_space<hbm>>
        tpu.enqueue_dma source(%arg12 : memref<32xf32, #tpu.memory_space<vmem>>) target(%dma_start3A_221 : memref<32xf32, #tpu.memory_space<hbm>>) target_semaphore(%run_scoped3A : memref<!tpu.dma_semaphore, #tpu.memory_space<semaphore_mem>>)
        %dma_wait3A_222 = tpu.memref_slice %arg4[%mul3A_219] : memref<64xf32, #tpu.memory_space<hbm>> -> memref<32xf32, #tpu.memory_space<hbm>>
        %dma_wait3A_223 = tpu.memref_slice %arg4[%mul3A_219] : memref<64xf32, #tpu.memory_space<hbm>> -> memref<32xf32, #tpu.memory_space<hbm>>
        tpu.wait_dma2 semaphore(%run_scoped3A : memref<!tpu.dma_semaphore, #tpu.memory_space<semaphore_mem>>) src(%arg12 : memref<32xf32, #tpu.memory_space<vmem>>) dst(%dma_wait3A_223 : memref<32xf32, #tpu.memory_space<hbm>>)
        tpu.yield
      }) : () -> ()
    } else {
    }
    return
  }
}

</mosaic_0001>

<sc_bundles>
// kernel: kernel.3.cloned.1.call-start
scs
__scs_entry_jumppad:
0x0: {  	(pc) =	sbr.rel $0x88, $3  }
0x1: {  	(tag) =	ssettag $0x0;
	lr =	simm.s32 $0x1  }
0x2: {  	[smem:$0x3F9F] =	sst lr;
	_ =	strace $0xD0000000  }
0x3: {  	_ = 	snop  }
0x4: {  	_ = 	snop  }
0x5: {  	_ = 	snop  }
0x6: {  	_ = 	snop  }
0x7: {  	_ = 	snop  }
__scs_overlays_trampoline_lowered:
0x8: {  	[smem:$0x3FAE] =	sst s0  }
0x9: {  	[smem:$0x3FAF] =	sst s1  }
0xa: {  	[smem:$0x3FB0] =	sst s2  }
0xb: {  	[smem:$0x3FB1] =	sst s3  }
0xc: {  	[smem:$0x3FB2] =	sst s4  }
0xd: {  	[smem:$0x3FB3] =	sst s5  }
0xe: {  	[smem:$0x3FB4] =	sst s6  }
0xf: {  	[smem:$0x3FB5] =	sst s7  }
0x10: {  	[smem:$0x3FB6] =	sst s8  }
0x11: {  	[smem:$0x3FB7] =	sst s9;
	s0 =	simm.s32 @!p0 $0x0  }
0x12: {  	s1 =	sld [smem:$0x3F9D];
	s0 =	simm.s32 @p0 $0x1  }
0x13: {  	[smem:$0x3FB8] =	sst s0;
	s0 =	simm.s32 @!p1 $0x0  }
0x14: {  	s2 =	sld [smem:$0x3F9C];
	s0 =	simm.s32 @p1 $0x1  }
0x15: {  	[smem:$0x3FB9] =	sst s0;
	s0 =	simm.s32 @!p2 $0x0  }
0x16: {  	s3 =	sld [smem:$0x3FDB];
	s0 =	simm.s32 @p2 $0x1  }
0x17: {  	s4 =	simm.s32 $0x1BF5;
	[smem:$0x3FBB] =	sst s0  }
0x18: {  	s0 =	sld [smem:$0x3F9E];
	_ =	swait.ge [sflag:s4], $0x0  }
0x19: {  	s7 =	sld [smem:$0x3F9F]  }
0x1a: {  	s8 =	sadd.s32 $0xFFFFE003, lr  }
0x1b: {  	s9 =	sadd.s32 $0xFFFFFEF7, lr;
	s5 =	simm.s32 $0xFFFFFFFF;
	p2 =	slt.u32 s8, $0xFFFFF086  }
0x1c: {  	p1 =	slt.u32 s9, $0xF7A;
	s5 =	simm.s32 @!p2 $0x0  }
0x1d: {  	s5 =	simm.s32 @p1 $0x1;
	p0 =	seq.s32 s7, s2  }
0x1e: {  	s7 =	smul.u32 @!p0 $0xF7A, s2;
	p2 =	seq.s32 @!p0 s5, $0x0  }
0x1f: {  	s9 =	smul.u32 $0xF7A, s1;
	s8 =	simm.s32 @!p0 $0x1BF5;
	p2 =	por !p2, p0  }
0x20: {  	[sflag:s8] =	ssyncset.s32 @!p0 $0xFFFFF086;
	s6 =	sadd.s32 @!p0 s3, s7;
	s7 =	simm.s32 @!p0 $0x108  }
0x21: {  	s3 =	sadd.s32 s3, s9;
	s6 =	sadd.s32 @!p0 $0x88, s6;
	s7 =	simm.s32 @p2 $0x1082  }
0x22: {  	[simem:s7], [sflag:s8] =	dma.local @!p0 [hbm:s6], $0xF7A  }
0x23: {  	s9 =	sor.u32 $0xD0000000, s2;
	s6 =	simm.s32 $0x108;
	_ =	swait.ge @!p0 [sflag:s8], $0x0  }
0x24: {  	s3 =	sadd.s32 $0x88, s3;
	s6 =	simm.s32 @!p1 $0x1082;
	[sflag:s4] =	ssyncset.s32 $0xFFFFF086  }
0x25: {  	[simem:s6], [sflag:s4] =	dma.local [hbm:s3], $0xF7A  }
0x26: {  	[smem:$0x3F9F] =	sst s1;
	(tag) =	ssettag s2;
	_ =	strace s9  }
0x27: {  	s1 =	sld [smem:$0x3FAF]  }
0x28: {  	s2 =	sld [smem:$0x3FB0]  }
0x29: {  	s4 =	sld [smem:$0x3FB2]  }
0x2a: {  	p0 =	seq.s32 s5, $0x0;
	s5 =	sld [smem:$0x3FB3]  }
0x2b: {  	s6 =	sld [smem:$0x3FB4]  }
0x2c: {  	s7 =	sld [smem:$0x3FB5]  }
0x2d: {  	s3 =	simm.s32 $0x108;
	s8 =	sld [smem:$0x3FB6]  }
0x2e: {  	s3 =	simm.s32 @!p0 $0x1082;
	s9 =	sld [smem:$0x3FB7]  }
0x2f: {  	lr =	sadd.s32 s0, s3;
	s0 =	sld [smem:$0x3FAE]  }
0x30: {  	s3 =	sld [smem:$0x3FB1]  }
0x31: {  	[smem:$0x3FBA] =	sst s10  }
0x32: {  	s10 =	sld [smem:$0x3FB8];
	_ =	sdelay $0x3  }
0x33: {  	p0 =	seq.s32 s10, $0x1;
	s10 =	sld [smem:$0x3FBA];
	_ =	sdelay $0x3  }
0x34: {  	[smem:$0x3FBA] =	sst s10  }
0x35: {  	s10 =	sld [smem:$0x3FB9];
	_ =	sdelay $0x3  }
0x36: {  	p1 =	seq.s32 s10, $0x1;
	s10 =	sld [smem:$0x3FBA];
	_ =	sdelay $0x3  }
0x37: {  	[smem:$0x3FBA] =	sst s10  }
0x38: {  	s10 =	sld [smem:$0x3FBB]  }
0x39: {  	_ = 	snop;
	(pc) =	sbr.ind lr, $3  }
0x3a: {  	_ = 	snop  }
0x3b: {  	_ = 	snop  }
0x3c: {  	p2 =	seq.s32 s10, $0x1;
	s10 =	sld [smem:$0x3FBA]  }
0x3d: {  	_ =	shalt  }
0x3e: {  	_ =	shalt  }
0x3f: {  	_ =	shalt  }
0x40: {  	_ =	shalt  }
0x41: {  	_ =	shalt  }
0x42: {  	_ =	shalt  }
0x43: {  	_ =	shalt  }
0x44: {  	_ =	shalt  }
0x45: {  	_ =	shalt  }
0x46: {  	_ =	shalt  }
0x47: {  	_ =	shalt  }
0x48: {  	_ =	shalt  }
0x49: {  	_ =	shalt  }
0x4a: {  	_ =	shalt  }
0x4b: {  	_ =	shalt  }
0x4c: {  	_ =	shalt  }
0x4d: {  	_ =	shalt  }
0x4e: {  	_ =	shalt  }
0x4f: {  	_ =	shalt  }
0x50: {  	_ =	shalt  }
0x51: {  	_ =	shalt  }
0x52: {  	_ =	shalt  }
0x53: {  	_ =	shalt  }
0x54: {  	_ =	shalt  }
0x55: {  	_ =	shalt  }
0x56: {  	_ =	shalt  }
0x57: {  	_ =	shalt  }
0x58: {  	_ =	shalt  }
0x59: {  	_ =	shalt  }
0x5a: {  	_ =	shalt  }
0x5b: {  	_ =	shalt  }
0x5c: {  	_ =	shalt  }
0x5d: {  	_ =	shalt  }
0x5e: {  	_ =	shalt  }
0x5f: {  	_ =	shalt  }
0x60: {  	_ =	shalt  }
0x61: {  	_ =	shalt  }
0x62: {  	_ =	shalt  }
0x63: {  	_ =	shalt  }
0x64: {  	_ =	shalt  }
0x65: {  	_ =	shalt  }
0x66: {  	_ =	shalt  }
0x67: {  	_ =	shalt  }
0x68: {  	_ =	shalt  }
0x69: {  	_ =	shalt  }
0x6a: {  	_ =	shalt  }
0x6b: {  	_ =	shalt  }
0x6c: {  	_ =	shalt  }
0x6d: {  	_ =	shalt  }
0x6e: {  	_ =	shalt  }
0x6f: {  	_ =	shalt  }
0x70: {  	_ =	shalt  }
0x71: {  	_ =	shalt  }
0x72: {  	_ =	shalt  }
0x73: {  	_ =	shalt  }
0x74: {  	_ =	shalt  }
0x75: {  	_ =	shalt  }
0x76: {  	_ =	shalt  }
0x77: {  	_ =	shalt  }
0x78: {  	_ =	shalt  }
0x79: {  	_ =	shalt  }
0x7a: {  	_ =	shalt  }
0x7b: {  	_ =	shalt  }
0x7c: {  	_ =	shalt  }
0x7d: {  	_ =	shalt  }
0x7e: {  	_ =	shalt  }
0x7f: {  	_ =	shalt  }
0x80: {  	_ =	shalt  }
0x81: {  	_ =	shalt  }
0x82: {  	_ =	shalt  }
0x83: {  	_ =	shalt  }
0x84: {  	_ =	shalt  }
0x85: {  	_ =	shalt  }
0x86: {  	_ =	shalt  }
0x87: {  	_ =	shalt  }
.Lfunc_end0:
.L_simem_size_0:
called_computation_lowered:
.L_overlay_start_0:
0x88: {  	s2 =	sld [smem:$0x3FD9]  }
0x89: {  	s3 =	sld [smem:$0x3FFE];
	_ =	sdelay $0x1  }
0x8a: {  	s1 =	srdreg.scid  }
0x8b: {  	s0 =	sand.u32 $0x1, s1  }
0x8c: {  	s18 =	sshll.u32 s0, $0xA;
	s2 =	sadd.s32 s3, s2  }
0x8d: {  	s2 =	sadd.s32 s2, s18  }
0x8e: {  	[smem:$0x3FC6] =	sst s2  }
0x8f: {  	_ = 	snop  }
0x90: {  	s2 =	sld [smem:$0x3FC9]  }
0x91: {  	s19 =	sld [smem:$0x3FC8]  }
0x92: {  	s4 =	sld [smem:$0x3FD0];
	(tm) =	ssettm $0x1  }
0x93: {  	s5 =	sld [smem:$0x3FFB];
	_ =	sdelay $0x3  }
0x94: {  	_ =	strace s5  }
0x95: {  	s5 =	sld [smem:$0x3FFC];
	_ =	sdelay $0x3  }
0x96: {  	_ =	strace s5  }
0x97: {  	s5 =	sld [smem:$0x3FFD];
	_ =	sdelay $0x3  }
0x98: {  	_ =	strace s5  }
0x99: {  	_ =	strace $0x8FFFFFFF  }
0x9a: {  	s20 =	sld [smem:$0x3FDB];
	_ =	sdelay $0x1  }
0x9b: {  	s6 =	simm.s32 $_scs_section_size  }
0x9c: {  	s7 =	simm.s32 $_size__tile_overlayer_lowered;
	s8 =	simm.s32 $_tile_overlayer_lowered  }
0x9d: {  	s23 =	simm.s32 $0x1BFF;
	s22 =	sshll.u32 s8, $0x1;
	s5 =	sadd.s32 s6, s20  }
0x9e: {  	s9 =	simm.s32 $0x0;
	s21 =	sshll.u32 s7, $0x1;
	s7 =	sadd.s32 s22, s5  }
0x9f: {  	[timem:s9], [sflag:s23] =	dma.local [hbm:s7], s21  }
0xa0: {  	_ =	swait.ge [sflag:s23], s21  }
0xa1: {  	s6 =	ssub.s32 $0x0, s21;
	[sflag:s23] =	ssyncset.done $0x0  }
0xa2: {  	[sflag:s23] =	ssyncadd.s32 s6;
	_ =	sdelay $0x1  }
0xa3: {  	s24 =	simm.s32 $0x1B8B  }
0xa4: {  	_ =	swait.ge [sflag:s24], $0x1  }
0xa5: {  	[sflag:s24] =	ssyncset.done $0x0  }
0xa6: {  	s25 =	simm.s32 $0x1B8E;
	[sflag:s24] =	ssyncadd.s32 $0xFFFFFFFF  }
0xa7: {  	s26 =	simm.s32 $execute0_lowered;
	[smem:$0x3FD2] =	sst s25  }
0xa8: {  	s6 =	sshll.u32 s26, $0x1;
	_ =	strace $0x80000046;
	[dreg:$0x1] =	wrdreg $0xFFFFFFFF  }
0xa9: {  	s28 =	simm.s32 $_size_execute0_lowered;
	s5 =	sadd.s32 s5, s6;
	[dreg:$0x0] =	wrdreg $0x0  }
0xaa: {  	s6 =	sshll.u32 s28, $0x1;
	[dreg:$0x2] =	wrdreg s5  }
0xab: {  	[dreg:$0x3] =	wrdreg s6  }
0xac: {  	[dreg:$0x4] =	wrdreg $0xC0  }
0xad: {  	_ =	task [dreg:s9], $0x5FFFF  }
0xae: {  	[dreg:$0x1] =	wrdreg $0xFFFFFFFF  }
0xaf: {  	[dreg:$0x0] =	wrdreg $0x60  }
0xb0: {  	[dreg:$0x2] =	wrdreg s2  }
0xb1: {  	[dreg:$0x3] =	wrdreg s19  }
0xb2: {  	[dreg:$0x4] =	wrdreg s4  }
0xb3: {  	[dreg:$0x5] =	wrdreg $0xE8800  }
0xb4: {  	[dreg:$0x6] =	wrdreg $0x9  }
0xb5: {  	_ =	task.clear_ibuf [dreg:s9], $0x7FFFF;
	_ =	strace $0x90000046  }
0xb6: {  	s29 =	simm.s32 $0x9;
	_ =	strace $0x80000048  }
0xb7: {  	_ =	swait.ge [sflag:s29], $0x1  }
0xb8: {  	[sflag:s29] =	ssyncadd.s32 $0xFFFFFFFF  }
0xb9: {  	_ =	strace $0x90000048  }
0xba: {  	_ =	sfence  }
0xbb: {  	s30 =	sld [smem:$0x0];
	_ =	sdelay $0x2  }
0xbc: {  	s31 =	sshll.u32 s1, $0xD;
	s1 =	sshrl.u32 s1, $0x2  }
0xbd: {  	s3 =	sand.u32 $0x4000, s31;
	s1 =	sadd.s32 s1, s30  }
0xbe: {  	s0 =	sor.u32 s3, s0;
	s1 =	sshll.u32 s1, $0x11  }
0xbf: {  	s0 =	sor.u32 s1, s0  }
0xc0: {  	s0 =	sadd.s32 $0x8F2B, s0  }
0xc1: {  	[sflag:s0] =	ssyncadd.remote.s32 $0x1  }
0xc2: {  	_ =	sfence.sel $0xFFFF  }
0xc3: {  	[dreg:$0x0] =	wrdreg $0xFFFFFFFF;
	(pc) =	sbr.abs _section_cstart, $3  }
0xc4: {  	[dreg:$0x1] =	wrdreg $0xFFFFFFFF  }
0xc5: {  	_ =	task.clear_ibuf [dreg:s9], $0x2FFFF;
	_ =	strace $0x9FFFFFFF  }
0xc6: {  	(tm) =	ssettm $0x7FFFFFFF  }
0xc7: {  	_ =	shalt  }
tec
execute0_lowered:
.L_overlay_start_1:
0x0: {  	(tag) =	ssettag $0x1  }
0x1: {  	s6 =	rddreg [dreg:$0x0]  }
0x2: {  	s5 =	rddreg [dreg:$0x1];
	s0 =	srdreg.scid  }
0x3: {  	s8 =	rddreg [dreg:$0x2];
	s17 =	stileid.u32  }
0x4: {  	s1 =	rddreg [dreg:$0x3];
	s14 =	simm.s32 $0xB400;
	s18 =	simm.s32 $0x2  }
0x5: {  	s19 =	simm.s32 $0x0;
	s7 =	sand.u32 $0x1, s0;
	s9 =	sshll.u32 s17, $0x1  }
0x6: {  	s0 =	rddreg [dreg:$0x4];
	s25 =	sshll.u32 s17, $0x8;
	s30 =	sshll.u32 s17, $0x4  }
0x7: {  	p0 =	sne.s32 s17, $0x0;
	s17 =	simm.s32 $0xE800;
	s2 =	sshll.u32 s7, $0x5  }
0x8: {  	s10 =	ssub.s32 $0x2, s7;
	s12 =	sand.u32 $0x300, s25;
	s15 =	sand.u32 $0xE, s9  }
0x9: {  	s31 =	sshll.u32 s7, $0x2;
	s7 =	sadd.s32 s30, s1;
	s3 =	sor.u32 s9, s2  }
0xa: {  	s2 =	simm.s32 $0x0;
	s26 =	sshrl.u32 s10, $0x1;
	s29 =	sor.u32 $0x80, s12  }
0xb: {  	s16 =	sor.u32 $0x1, s15;
	s8 =	sadd.s32 s8, s31;
	v0 =	vmov s15;
	s15 =	simm.s32 $0x7400  }
0xc: {  	s4 =	sshrl.u32 s3, $0x3;
	[smem:$0x7FF] =	sst s2;
	s10 =	ssub.s32 s10, s26  }
0xd: {  	v1 =	vmov s16;
	s16 =	simm.s32 $0x1;
	s11 =	sshll.u32 s4, $0xA;
	_ =	strace $0x80000047  }
0xe: {  	s4 =	sshll.u32 s4, $0x11;
	s9 =	smax.u32 s10, $0x1;
	s10 =	simm.s32 $0x80  }
0xf: {  	s13 =	sor.u32 s12, s11;
	s12 =	sor.u32 s12, s4;
	s11 =	sor.u32 s29, s11  }
0x10: {  	s4 =	sor.u32 s29, s4;
	s28 =	sshrl.u32 s13, $0x3;
	s12 =	sshrl.u32 s12, $0x3  }
0x11: {  	s11 =	sshrl.u32 s11, $0x3;
	s13 =	sshrl.u32 s4, $0x3;
	s3 =	sadd.s32 s5, s28  }
0x12: {  	v2 =	vlaneseq.u32;
	s4 =	sadd.s32 s6, s12;
	s5 =	sadd.s32 s5, s11;
	s6 =	sadd.s32 s6, s13  }
0x13: {  	vm1 =	veq.s32 v0, v2;
	vm0 =	veq.s32 v1, v2;
	s11 =	simm.s32 $0x2000;
	s12 =	simm.s32 $0x4000;
	s13 =	simm.s32 $0x400  }
.LBB2_1:
0x14: {  	[tilespmem:s12], [sflag:$0x1] =	stream.strided.gather [hbm4b:s3+s10], $0x3300, s11, s10, $0x38;
	[tilespmem:$0xEA10] =	vst v63  }
0x15: {  	_ = 	snop  }
0x16: {  	[tilespmem:s2], [sflag:$0x1] =	stream.strided.gather [hbm4b:s4+s10], $0x4000, s13, s10, $0x38;
	[tilespmem:$0xEA10] =	vst v63  }
0x17: {  	_ = 	snop  }
0x18: {  	[tilespmem:s14], [sflag:$0x1] =	stream.strided.gather [hbm4b:s5+s10], $0x3300, s11, s10, $0x38;
	[tilespmem:$0xEA10] =	vst v63  }
0x19: {  	_ = 	snop  }
0x1a: {  	[tilespmem:s15], [sflag:$0x1] =	stream.strided.gather [hbm4b:s6+s10], $0x4000, s13, s10, $0x38;
	[tilespmem:$0xEA10] =	vst v63  }
0x1b: {  	_ =	swait.ge [sflag:s16], $0x3300  }
0x1c: {  	[sflag:s16] =	ssyncset.done $0x0  }
0x1d: {  	[sflag:s16] =	ssyncadd.s32 $0xFFFFCD00  }
0x1e: {  	_ =	swait.ge [sflag:s16], $0x4000  }
0x1f: {  	[sflag:s16] =	ssyncset.done $0x0  }
0x20: {  	s21 =	simm.s32 $0x4180;
	[sflag:s16] =	ssyncadd.s32 $0xFFFFC000  }
0x21: {  	v12 =	vld [tilespmem:s21+$0x100]  }
0x22: {  	v7 =	vld [tilespmem:s21+$0x110]  }
0x23: {  	v5 =	vld [tilespmem:s21+$0x120]  }
0x24: {  	v4 =	vld [tilespmem:s21+$0x130]  }
0x25: {  	v14 =	vld [tilespmem:s21+$0xFFFFFF80]  }
0x26: {  	v15 =	vld [tilespmem:s21+$0xFFFFFF90]  }
0x27: {  	v13 =	vld [tilespmem:s21+$0xFFFFFFA0]  }
0x28: {  	v11 =	vld [tilespmem:s21+$0xFFFFFFB0]  }
0x29: {  	v9 =	vld [tilespmem:s21+$0x0]  }
0x2a: {  	v8 =	vld [tilespmem:s21+$0x10]  }
0x2b: {  	v18 =	vld [tilespmem:s21+$0x20]  }
0x2c: {  	v0 =	vld [tilespmem:s21+$0x80]  }
0x2d: {  	v1 =	vld [tilespmem:s21+$0x90]  }
0x2e: {  	v2 =	vld [tilespmem:s21+$0xA0]  }
0x2f: {  	v3 =	vld [tilespmem:s21+$0xB0]  }
0x30: {  	v6 =	vld [tilespmem:s21+$0xFFFFFF00]  }
0x31: {  	v10 =	vld [tilespmem:s21+$0xFFFFFF10]  }
0x32: {  	v16 =	vld [tilespmem:s21+$0xFFFFFF20];
	v0 =	vtrunc.f32 v0  }
0x33: {  	v17 =	vld [tilespmem:s21+$0xFFFFFF30];
	v1 =	vtrunc.f32 v1;
	v0 =	vcvt.f32.s32 v0  }
0x34: {  	v21 =	vld [tilespmem:s21+$0x30];
	v2 =	vtrunc.f32 v2;
	v1 =	vcvt.f32.s32 v1  }
0x35: {  	v25 =	vld [tilespmem:s21+$0xFFFFFE80];
	v3 =	vtrunc.f32 v3;
	v2 =	vcvt.f32.s32 v2  }
0x36: {  	v27 =	vld [tilespmem:s21+$0xFFFFFE90];
	v6 =	vtrunc.f32 v6;
	v3 =	vcvt.f32.s32 v3  }
0x37: {  	v28 =	vld [tilespmem:s21+$0xFFFFFEA0];
	v10 =	vtrunc.f32 v10;
	v6 =	vcvt.f32.s32 v6  }
0x38: {  	v36 =	vld [tilespmem:s21+$0xFFFFFEB0];
	v19 =	vcvt.f32.s32 v10;
	v10 =	vtrunc.f32 v16  }
0x39: {  	v17 =	vtrunc.f32 v17;
	v16 =	vcvt.f32.s32 v10;
	v10 =	vld.idx.msk [tilespmem:v0+s2+$0x0], $0xffff  }
0x3a: {  	v63 =	vcvt.f32.s32 v17;
	v33 =	vld.idx.msk [tilespmem:v1+s2+$0x0], $0xffff  }
0x3b: {  	v34 =	vld.idx.msk [tilespmem:v2+s2+$0x0], $0xffff  }
0x3c: {  	v29 =	vld.idx.msk [tilespmem:v3+s2+$0x0], $0xffff  }
0x3d: {  	v26 =	vimm.f32 $0.0e+00;
	v22 =	vimm.f32 $0.0e+00;
	v35 =	vld.idx.msk [tilespmem:v6+s2+$0x0], $0xffff  }
0x3e: {  	v24 =	vimm.f32 $0.0e+00;
	v20 =	vimm.f32 $0.0e+00;
	v23 =	vimm.f32 $0.0e+00;
	v30 =	vld.idx.msk [tilespmem:v19+s2+$0x0], $0xffff  }
0x3f: {  	vm3 =	vgt.f32 v12, $0.0e+00;
	vm4 =	vgt.f32 v7, $0.0e+00;
	vm2 =	vgt.f32 v5, $0.0e+00;
	v32 =	vld.idx.msk [tilespmem:v16+s2+$0x0], $0xffff  }
0x40: {  	s20 =	simm.s32 $0x0;
	s21 =	simm.s32 $0x4480;
	v17 =	vimm.f32 $0.0e+00;
	v31 =	vld.idx.msk [tilespmem:v63+s2+$0x0], $0xffff;
	v19 =	vimm.f32 $0.0e+00;
	v16 =	vimm.f32 $0.0e+00  }
.LBB2_2:
0x41: {  	v0 =	vld [tilespmem:s21+$0x100];
	vm7 =	vgt.f32 v14, $0.0e+00;
	v1 =	vsub.f32 v10, v9;
	vm6 =	vgt.f32 v4, $0.0e+00  }
0x42: {  	vm5 =	vgt.f32 v15, $0.0e+00;
	v3 =	vsub.f32 v33, v8;
	v6 =	vsub.f32 v34, v18;
	v2 =	vld [tilespmem:s21+$0x110]  }
0x43: {  	v8 =	vsub.f32 v35, v25;
	vm8 =	vgt.f32 v13, $0.0e+00;
	v9 =	vsub.f32 v29, v21;
	v10 =	vld [tilespmem:s21+$0x120]  }
0x44: {  	vm9 =	vgt.f32 v11, $0.0e+00;
	v18 =	vsub.f32 v30, v27;
	v25 =	vsub.f32 v32, v28;
	v21 =	vld [tilespmem:s21+$0x130]  }
0x45: {  	v1 =	vand.u32 $0x7FFFFFFF, v1;
	v3 =	vand.u32 $0x7FFFFFFF, v3;
	v27 =	vld [tilespmem:s21+$0xFFFFFF80];
	v28 =	vsub.f32 v31, v36  }
0x46: {  	v8 =	vand.u32 $0x7FFFFFFF, v8;
	v6 =	vand.u32 $0x7FFFFFFF, v6;
	v30 =	vand.u32 $0x7FFFFFFF, v9;
	v29 =	vld [tilespmem:s21+$0xFFFFFF90]  }
0x47: {  	v18 =	vand.u32 $0x7FFFFFFF, v18;
	v25 =	vand.u32 $0x7FFFFFFF, v25;
	v31 =	vld [tilespmem:s21+$0xFFFFFFA0];
	v28 =	vand.u32 $0x7FFFFFFF, v28  }
0x48: {  	v8 =	vnsel vm7, $0x0, v8;
	v1 =	vnsel vm3, $0x0, v1;
	v3 =	vnsel vm4, $0x0, v3;
	v32 =	vld [tilespmem:s21+$0xFFFFFFB0]  }
0x49: {  	v6 =	vnsel vm2, $0x0, v6;
	v30 =	vnsel vm6, $0x0, v30;
	v26 =	vadd.f32 v8, v26;
	v9 =	vld [tilespmem:s21+$0x0]  }
0x4a: {  	v33 =	vnsel vm5, $0x0, v18;
	v25 =	vnsel vm8, $0x0, v25;
	v28 =	vnsel vm9, $0x0, v28;
	v8 =	vld [tilespmem:s21+$0x10]  }
0x4b: {  	v22 =	vmax.f32 v22, v14;
	v24 =	vadd.f32 v33, v24;
	v26 =	vadd.f32 v1, v26;
	v14 =	vmovc v27;
	v18 =	vld [tilespmem:s21+$0x20]  }
0x4c: {  	v22 =	vmax.f32 v22, v12;
	v12 =	vmovc v0;
	v23 =	vadd.f32 v25, v23;
	v27 =	vmax.f32 v20, v15;
	v1 =	vld [tilespmem:s21+$0x80]  }
0x4d: {  	v24 =	vadd.f32 v3, v24;
	v19 =	vadd.f32 v28, v19;
	v20 =	vmax.f32 v27, v7;
	v7 =	vmovc v2;
	v0 =	vld [tilespmem:s21+$0x90]  }
0x4e: {  	v25 =	vmax.f32 v16, v11;
	v3 =	vmax.f32 v17, v13;
	v23 =	vadd.f32 v6, v23;
	v15 =	vmovc v29;
	v2 =	vld [tilespmem:s21+$0xA0]  }
0x4f: {  	v16 =	vmax.f32 v25, v4;
	v17 =	vmax.f32 v3, v5;
	v5 =	vmovc v10;
	v19 =	vadd.f32 v30, v19;
	v6 =	vld [tilespmem:s21+$0xB0]  }
0x50: {  	v4 =	vmov v21;
	v13 =	vmov v31;
	v11 =	vmov v32;
	v3 =	vld [tilespmem:s21+$0xFFFFFF00]  }
0x51: {  	v10 =	vld [tilespmem:s21+$0xFFFFFF10];
	v1 =	vtrunc.f32 v1  }
0x52: {  	v29 =	vld [tilespmem:s21+$0xFFFFFF20];
	v1 =	vcvt.f32.s32 v1;
	v0 =	vtrunc.f32 v0  }
0x53: {  	v30 =	vld [tilespmem:s21+$0xFFFFFF30];
	v0 =	vcvt.f32.s32 v0;
	v2 =	vtrunc.f32 v2  }
0x54: {  	v2 =	vcvt.f32.s32 v2;
	v21 =	vld [tilespmem:s21+$0x30];
	v6 =	vtrunc.f32 v6  }
0x55: {  	v25 =	vld [tilespmem:s21+$0xFFFFFE80];
	v3 =	vtrunc.f32 v3;
	v6 =	vcvt.f32.s32 v6  }
0x56: {  	v3 =	vcvt.f32.s32 v3;
	v27 =	vld [tilespmem:s21+$0xFFFFFE90];
	v10 =	vtrunc.f32 v10  }
0x57: {  	s20 =	sadd.s32 $0x2, s20;
	v31 =	vcvt.f32.s32 v10;
	v28 =	vld [tilespmem:s21+$0xFFFFFEA0];
	v10 =	vtrunc.f32 v29  }
0x58: {  	p1 =	slt.u32 s20, $0x20;
	v32 =	vcvt.f32.s32 v10;
	v29 =	vtrunc.f32 v30;
	v10 =	vld.idx.msk [tilespmem:v1+s2+$0x0], $0xffff  }
0x59: {  	v1 =	vcvt.f32.s32 v29;
	v33 =	vld.idx.msk [tilespmem:v0+s2+$0x0], $0xffff  }
0x5a: {  	v34 =	vld.idx.msk [tilespmem:v2+s2+$0x0], $0xffff  }
0x5b: {  	v29 =	vld.idx.msk [tilespmem:v6+s2+$0x0], $0xffff  }
.Ltmp0:
0x5c: {  	v35 =	vld.idx.msk [tilespmem:v3+s2+$0x0], $0xffff;
	(pc) =	sbr.rel @p1 .LBB2_2-.Ltmp0, $4  }
0x5d: {  	v30 =	vld.idx.msk [tilespmem:v31+s2+$0x0], $0xffff  }
0x5e: {  	v32 =	vld.idx.msk [tilespmem:v32+s2+$0x0], $0xffff  }
0x5f: {  	v31 =	vld.idx.msk [tilespmem:v1+s2+$0x0], $0xffff  }
0x60: {  	vm3 =	vgt.f32 v12, $0.0e+00;
	vm2 =	vgt.f32 v5, $0.0e+00;
	vm4 =	vgt.f32 v7, $0.0e+00;
	v36 =	vld [tilespmem:s21+$0xFFFFFEB0];
	s21 =	sadd.s32 $0x300, s21  }
0x61: {  	_ =	swait.ge [sflag:s16], $0x3300  }
0x62: {  	[sflag:s16] =	ssyncset.done $0x0  }
0x63: {  	[sflag:s16] =	ssyncadd.s32 $0xFFFFCD00  }
0x64: {  	_ =	swait.ge [sflag:s16], $0x4000  }
0x65: {  	[sflag:s16] =	ssyncset.done $0x0  }
0x66: {  	s21 =	simm.s32 $0xB580;
	[sflag:s16] =	ssyncadd.s32 $0xFFFFC000  }
0x67: {  	v3 =	vld [tilespmem:s21+$0x100]  }
0x68: {  	v2 =	vld [tilespmem:s21+$0x110]  }
0x69: {  	v1 =	vld [tilespmem:s21+$0x120]  }
0x6a: {  	v0 =	vld [tilespmem:s21+$0x130]  }
0x6b: {  	v6 =	vld [tilespmem:s21+$0xFFFFFF80]  }
0x6c: {  	vm5 =	vgt.f32 v14, $0.0e+00;
	v37 =	vsub.f32 v10, v9;
	v10 =	vld [tilespmem:s21+$0xFFFFFF90]  }
0x6d: {  	vm6 =	vgt.f32 v4, $0.0e+00;
	v33 =	vsub.f32 v33, v8;
	v34 =	vsub.f32 v34, v18;
	v8 =	vld [tilespmem:s21+$0xFFFFFFA0]  }
0x6e: {  	vm7 =	vgt.f32 v15, $0.0e+00;
	v25 =	vsub.f32 v35, v25;
	v29 =	vsub.f32 v29, v21;
	v9 =	vld [tilespmem:s21+$0xFFFFFFB0]  }
0x6f: {  	vm8 =	vgt.f32 v13, $0.0e+00;
	vm9 =	vgt.f32 v11, $0.0e+00;
	v22 =	vmax.f32 v22, v14;
	v18 =	vld [tilespmem:s21+$0x0]  }
0x70: {  	v15 =	vmax.f32 v20, v15;
	v13 =	vmax.f32 v17, v13;
	v11 =	vmax.f32 v16, v11;
	v21 =	vld [tilespmem:s21+$0x10]  }
0x71: {  	v27 =	vsub.f32 v30, v27;
	v22 =	vmax.f32 v22, v12;
	v56 =	vand.u32 $0x7FFFFFFF, v25;
	v25 =	vld [tilespmem:s21+$0x20]  }
0x72: {  	v15 =	vmax.f32 v15, v7;
	v4 =	vmax.f32 v11, v4;
	v28 =	vsub.f32 v32, v28;
	v57 =	vld [tilespmem:s21+$0x80]  }
0x73: {  	v55 =	vand.u32 $0x7FFFFFFF, v33;
	v34 =	vand.u32 $0x7FFFFFFF, v34;
	v29 =	vand.u32 $0x7FFFFFFF, v29;
	v58 =	vld [tilespmem:s21+$0x90]  }
0x74: {  	v27 =	vand.u32 $0x7FFFFFFF, v27;
	v33 =	vnsel vm5, $0x0, v56;
	v32 =	vnsel vm4, $0x0, v55;
	v60 =	vld [tilespmem:s21+$0xA0]  }
0x75: {  	v59 =	vnsel vm2, $0x0, v34;
	v61 =	vnsel vm6, $0x0, v29;
	v30 =	vsub.f32 v31, v36;
	v29 =	vld [tilespmem:s21+$0xB0]  }
0x76: {  	v31 =	vand.u32 $0x7FFFFFFF, v37;
	v28 =	vand.u32 $0x7FFFFFFF, v28;
	v26 =	vadd.f32 v33, v26;
	v38 =	vld [tilespmem:s21+$0xFFFFFF00]  }
0x77: {  	v27 =	vnsel vm7, $0x0, v27;
	v31 =	vnsel vm3, $0x0, v31;
	v28 =	vnsel vm8, $0x0, v28;
	v20 =	vld [tilespmem:s21+$0xFFFFFF10]  }
0x78: {  	v24 =	vadd.f32 v27, v24;
	v14 =	vadd.f32 v31, v26;
	v31 =	vld [tilespmem:s21+$0xFFFFFF20];
	v26 =	vtrunc.f32 v57  }
0x79: {  	v30 =	vand.u32 $0x7FFFFFFF, v30;
	v62 =	vld [tilespmem:s21+$0xFFFFFF30];
	v27 =	vtrunc.f32 v58;
	v26 =	vcvt.f32.s32 v26  }
0x7a: {  	v23 =	vadd.f32 v28, v23;
	v28 =	vld [tilespmem:s21+$0xFFFFFE80];
	v12 =	vtrunc.f32 v60;
	v36 =	vcvt.f32.s32 v27  }
0x7b: {  	v39 =	vld [tilespmem:s21+$0xFFFFFEB0];
	v30 =	vnsel vm9, $0x0, v30;
	v29 =	vtrunc.f32 v29;
	v34 =	vcvt.f32.s32 v12  }
0x7c: {  	v19 =	vadd.f32 v30, v19;
	v30 =	vld [tilespmem:s21+$0xFFFFFEA0];
	v7 =	vtrunc.f32 v20;
	v63 =	vcvt.f32.s32 v29  }
0x7d: {  	v27 =	vld [tilespmem:s21+$0x30];
	v12 =	vadd.f32 v32, v24;
	v24 =	vtrunc.f32 v38;
	v17 =	vcvt.f32.s32 v7  }
0x7e: {  	vm2 =	vgt.f32 v22, $0.0e+00;
	v29 =	vld [tilespmem:s21+$0xFFFFFE90];
	v7 =	vtrunc.f32 v31;
	v24 =	vcvt.f32.s32 v24  }
0x7f: {  	v22 =	vimm.f32 $0.0e+00;
	v16 =	vtrunc.f32 v62;
	v20 =	vcvt.f32.s32 v7;
	v31 =	vld.idx.msk [tilespmem:v26+s15+$0x0], $0xffff  }
0x80: {  	v11 =	vmpcnt.ones.xlane vm2;
	vm3 =	vgt.f32 v4, $0.0e+00;
	v26 =	vcvt.f32.s32 v16;
	v32 =	vld.idx.msk [tilespmem:v36+s15+$0x0], $0xffff  }
0x81: {  	vm2 =	vgt.f32 v15, $0.0e+00;
	v4 =	vmpcnt.ones.xlane vm3;
	vm3 =	vgt.f32 v3, $0.0e+00;
	v34 =	vld.idx.msk [tilespmem:v34+s15+$0x0], $0xffff  }
0x82: {  	vm4 =	vgt.f32 v2, $0.0e+00;
	v7 =	vadd.f32 v59, v23;
	v23 =	vmax.f32 v13, v5;
	v33 =	vld.idx.msk [tilespmem:v63+s15+$0x0], $0xffff  }
0x83: {  	v5 =	vadd.f32 v61, v19;
	v13 =	vmpcnt.ones.xlane vm2;
	vm2 =	vgt.f32 v23, $0.0e+00;
	v35 =	vld.idx.msk [tilespmem:v17+s15+$0x0], $0xffff  }
0x84: {  	v19 =	vimm.f32 $0.0e+00;
	v23 =	vimm.f32 $0.0e+00;
	v15 =	vmpcnt.ones.xlane vm2;
	v38 =	vld.idx.msk [tilespmem:v24+s15+$0x0], $0xffff  }
0x85: {  	vm2 =	vgt.f32 v1, $0.0e+00;
	v16 =	vimm.f32 $0.0e+00;
	v17 =	vimm.f32 $0.0e+00;
	v36 =	vld.idx.msk [tilespmem:v20+s15+$0x0], $0xffff  }
0x86: {  	s20 =	simm.s32 $0x0;
	s21 =	simm.s32 $0xB880;
	v20 =	vimm.f32 $0.0e+00;
	v24 =	vimm.f32 $0.0e+00;
	v37 =	vld.idx.msk [tilespmem:v26+s15+$0x0], $0xffff;
	v26 =	vimm.f32 $0.0e+00  }
.LBB2_4:
0x87: {  	v40 =	vld [tilespmem:s21+$0x100];
	vm7 =	vgt.f32 v6, $0.0e+00;
	v18 =	vsub.f32 v31, v18;
	vm6 =	vgt.f32 v0, $0.0e+00  }
0x88: {  	vm5 =	vgt.f32 v10, $0.0e+00;
	v21 =	vsub.f32 v32, v21;
	v25 =	vsub.f32 v34, v25;
	v31 =	vld [tilespmem:s21+$0x110]  }
0x89: {  	v28 =	vsub.f32 v38, v28;
	vm8 =	vgt.f32 v8, $0.0e+00;
	v27 =	vsub.f32 v33, v27;
	v32 =	vld [tilespmem:s21+$0x120]  }
0x8a: {  	vm9 =	vgt.f32 v9, $0.0e+00;
	v29 =	vsub.f32 v35, v29;
	v30 =	vsub.f32 v36, v30;
	v33 =	vld [tilespmem:s21+$0x130]  }
0x8b: {  	v18 =	vand.u32 $0x7FFFFFFF, v18;
	v21 =	vand.u32 $0x7FFFFFFF, v21;
	v34 =	vld [tilespmem:s21+$0xFFFFFF80];
	v35 =	vsub.f32 v37, v39  }
0x8c: {  	v28 =	vand.u32 $0x7FFFFFFF, v28;
	v25 =	vand.u32 $0x7FFFFFFF, v25;
	v27 =	vand.u32 $0x7FFFFFFF, v27;
	v36 =	vld [tilespmem:s21+$0xFFFFFF90]  }
0x8d: {  	v29 =	vand.u32 $0x7FFFFFFF, v29;
	v30 =	vand.u32 $0x7FFFFFFF, v30;
	v37 =	vld [tilespmem:s21+$0xFFFFFFA0];
	v35 =	vand.u32 $0x7FFFFFFF, v35  }
0x8e: {  	v28 =	vnsel vm7, $0x0, v28;
	v41 =	vnsel vm4, $0x0, v21;
	v39 =	vnsel vm3, $0x0, v18;
	v38 =	vld [tilespmem:s21+$0xFFFFFFB0]  }
0x8f: {  	v27 =	vnsel vm6, $0x0, v27;
	v16 =	vadd.f32 v28, v16;
	v28 =	vnsel vm2, $0x0, v25;
	v18 =	vld [tilespmem:s21+$0x0]  }
0x90: {  	v29 =	vnsel vm5, $0x0, v29;
	v30 =	vnsel vm8, $0x0, v30;
	v35 =	vnsel vm9, $0x0, v35;
	v21 =	vld [tilespmem:s21+$0x10]  }
0x91: {  	v20 =	vmax.f32 v20, v6;
	v23 =	vadd.f32 v29, v23;
	v16 =	vadd.f32 v39, v16;
	v6 =	vmovc v34;
	v25 =	vld [tilespmem:s21+$0x20]  }
0x92: {  	v20 =	vmax.f32 v20, v3;
	v3 =	vmovc v40;
	v24 =	vadd.f32 v30, v24;
	v34 =	vmax.f32 v22, v10;
	v29 =	vld [tilespmem:s21+$0x80]  }
0x93: {  	v23 =	vadd.f32 v41, v23;
	v26 =	vadd.f32 v35, v26;
	v22 =	vmax.f32 v34, v2;
	v2 =	vmovc v31;
	v30 =	vld [tilespmem:s21+$0x90]  }
0x94: {  	v35 =	vmax.f32 v19, v9;
	v24 =	vadd.f32 v28, v24;
	v34 =	vmax.f32 v17, v8;
	v10 =	vmovc v36;
	v31 =	vld [tilespmem:s21+$0xA0]  }
0x95: {  	v19 =	vmax.f32 v35, v0;
	v26 =	vadd.f32 v27, v26;
	v17 =	vmax.f32 v34, v1;
	v1 =	vmovc v32;
	v28 =	vld [tilespmem:s21+$0xB0]  }
0x96: {  	v0 =	vmov v33;
	v8 =	vmov v37;
	v9 =	vmov v38;
	v32 =	vld [tilespmem:s21+$0xFFFFFF00]  }
0x97: {  	v33 =	vld [tilespmem:s21+$0xFFFFFF10];
	v27 =	vtrunc.f32 v29  }
0x98: {  	v34 =	vld [tilespmem:s21+$0xFFFFFF20];
	v35 =	vcvt.f32.s32 v27;
	v27 =	vtrunc.f32 v30  }
0x99: {  	v36 =	vld [tilespmem:s21+$0xFFFFFF30];
	v37 =	vcvt.f32.s32 v27;
	v27 =	vtrunc.f32 v31  }
0x9a: {  	v38 =	vcvt.f32.s32 v27;
	v27 =	vld [tilespmem:s21+$0x30];
	v29 =	vtrunc.f32 v28  }
0x9b: {  	v28 =	vld [tilespmem:s21+$0xFFFFFE80];
	v30 =	vtrunc.f32 v32;
	v39 =	vcvt.f32.s32 v29  }
0x9c: {  	v40 =	vcvt.f32.s32 v30;
	v29 =	vld [tilespmem:s21+$0xFFFFFE90];
	v30 =	vtrunc.f32 v33  }
0x9d: {  	s20 =	sadd.s32 $0x2, s20;
	v41 =	vcvt.f32.s32 v30;
	v30 =	vld [tilespmem:s21+$0xFFFFFEA0];
	v31 =	vtrunc.f32 v34  }
0x9e: {  	p1 =	slt.u32 s20, $0x20;
	v42 =	vcvt.f32.s32 v31;
	v32 =	vtrunc.f32 v36;
	v31 =	vld.idx.msk [tilespmem:v35+s15+$0x0], $0xffff  }
0x9f: {  	v43 =	vcvt.f32.s32 v32;
	v32 =	vld.idx.msk [tilespmem:v37+s15+$0x0], $0xffff  }
0xa0: {  	v34 =	vld.idx.msk [tilespmem:v38+s15+$0x0], $0xffff  }
0xa1: {  	v33 =	vld.idx.msk [tilespmem:v39+s15+$0x0], $0xffff  }
.Ltmp1:
0xa2: {  	v38 =	vld.idx.msk [tilespmem:v40+s15+$0x0], $0xffff;
	(pc) =	sbr.rel @p1 .LBB2_4-.Ltmp1, $4  }
0xa3: {  	v35 =	vld.idx.msk [tilespmem:v41+s15+$0x0], $0xffff  }
0xa4: {  	v36 =	vld.idx.msk [tilespmem:v42+s15+$0x0], $0xffff  }
0xa5: {  	v37 =	vld.idx.msk [tilespmem:v43+s15+$0x0], $0xffff  }
0xa6: {  	vm3 =	vgt.f32 v3, $0.0e+00;
	vm4 =	vgt.f32 v2, $0.0e+00;
	vm2 =	vgt.f32 v1, $0.0e+00;
	v39 =	vld [tilespmem:s21+$0xFFFFFEB0];
	s21 =	sadd.s32 $0x300, s21  }
0xa7: {  	vm5 =	vgt.f32 v6, $0.0e+00  }
0xa8: {  	v18 =	vsub.f32 v31, v18;
	vm6 =	vgt.f32 v0, $0.0e+00;
	v21 =	vsub.f32 v32, v21  }
0xa9: {  	vm7 =	vgt.f32 v10, $0.0e+00;
	v25 =	vsub.f32 v34, v25;
	v28 =	vsub.f32 v38, v28  }
0xaa: {  	vm8 =	vgt.f32 v8, $0.0e+00;
	v27 =	vsub.f32 v33, v27;
	vm9 =	vgt.f32 v9, $0.0e+00  }
0xab: {  	v42 =	vmax.f32 v20, v6;
	v44 =	vmax.f32 v22, v10;
	v47 =	vmax.f32 v17, v8  }
0xac: {  	v48 =	vmax.f32 v19, v9;
	v12 =	vadd.f32 v12, v14;
	v50 =	vadd.s32 v11, v13  }
0xad: {  	v29 =	vsub.f32 v35, v29;
	v3 =	vmax.f32 v42, v3;
	v2 =	vmax.f32 v44, v2  }
0xae: {  	v1 =	vmax.f32 v47, v1;
	v51 =	vmax.f32 v48, v0;
	v8 =	vadd.s32 v15, v50  }
0xaf: {  	v30 =	vsub.f32 v36, v30;
	v18 =	vand.u32 $0x7FFFFFFF, v18;
	v21 =	vand.u32 $0x7FFFFFFF, v21  }
0xb0: {  	v28 =	vand.u32 $0x7FFFFFFF, v28;
	v25 =	vand.u32 $0x7FFFFFFF, v25;
	v27 =	vand.u32 $0x7FFFFFFF, v27  }
0xb1: {  	v7 =	vadd.f32 v7, v12;
	v29 =	vand.u32 $0x7FFFFFFF, v29;
	v28 =	vnsel vm5, $0x0, v28  }
0xb2: {  	v18 =	vnsel vm3, $0x0, v18;
	v21 =	vnsel vm4, $0x0, v21;
	v25 =	vnsel vm2, $0x0, v25  }
0xb3: {  	v38 =	vsub.f32 v37, v39;
	v16 =	vadd.f32 v28, v16;
	v39 =	vnsel vm7, $0x0, v29  }
0xb4: {  	vm2 =	vgt.f32 v3, $0.0e+00;
	v30 =	vand.u32 $0x7FFFFFFF, v30;
	v43 =	vadd.f32 v39, v23  }
0xb5: {  	v40 =	vnsel vm8, $0x0, v30;
	v31 =	vand.u32 $0x7FFFFFFF, v38;
	v16 =	vadd.f32 v18, v16  }
0xb6: {  	v45 =	vadd.f32 v40, v24;
	v41 =	vnsel vm9, $0x0, v31;
	v20 =	vadd.f32 v21, v43  }
0xb7: {  	vm3 =	vgt.f32 v2, $0.0e+00;
	v3 =	vmpcnt.ones.xlane vm2;
	v46 =	vadd.f32 v41, v26  }
0xb8: {  	vm2 =	vgt.f32 v1, $0.0e+00;
	v49 =	vadd.f32 v25, v45;
	v52 =	vadd.f32 v20, v16  }
0xb9: {  	v27 =	vnsel vm6, $0x0, v27;
	v53 =	vmpcnt.ones.xlane vm3;
	v1 =	vmpcnt.ones.xlane vm2  }
0xba: {  	vm2 =	vgt.f32 v51, $0.0e+00;
	v6 =	vadd.f32 v27, v46;
	v54 =	vadd.f32 v49, v52  }
0xbb: {  	v55 =	vadd.f32 v5, v7;
	v3 =	vadd.s32 v3, v53;
	v56 =	vmpcnt.ones.xlane vm2  }
0xbc: {  	v4 =	vadd.s32 v4, v8;
	v1 =	vadd.s32 v1, v3;
	v0 =	vadd.f32 v6, v54  }
0xbd: {  	v57 =	vcvt.s32.f32 v4;
	(xrf2) =	vadd.scan.msk.f32 $0xffff, v55;
	v1 =	vadd.s32 v56, v1  }
0xbe: {  	v58 =	vcvt.s32.f32 v1;
	(xrf2) =	vadd.scan.msk.f32 $0xffff, v0  }
0xbf: {  	v59 =	vmax.f32 v57, $1.000000000e+00  }
0xc0: {  	(erf) = vrcp.f32 v59;
	v0 =	vmax.f32 v58, $1.000000000e+00  }
0xc1: {  	(erf) = vrcp.f32 v0;
	_ =	sdelay $0x5  }
0xc2: {  	v60, _, _ =	vpop (xrf2)  }
0xc3: {  	v61, _, _ =	vpop (xrf2)  }
0xc4: {  	v62 =	vpop (erf);
	v1 =	vbroadcast v61, $0xF  }
0xc5: {  	v0 =	vbroadcast v60, $0xF;
	v63 =	vpop (erf)  }
0xc6: {  	v1 =	vmul.f32 v63, v1  }
0xc7: {  	v0 =	vmul.f32 v62, v0  }
0xc8: {  	v1 =	vnsel vm0, $0x0, v1  }
0xc9: {  	v0 =	vsel vm1, v0, v1  }
0xca: {  	[tilespmem:$0xE800] =	vst v0  }
0xcb: {  	[spmem:s7] =	stream.linear.scatter [tilespmem:s17], [sflag:$0x2], $0x10, $0x38;
	[tilespmem:$0xEA10] =	vst v63  }
0xcc: {  	_ =	swait.ge [sflag:s18], $0x10  }
0xcd: {  	[sflag:s18] =	ssyncset.done $0x0  }
0xce: {  	[sflag:s18] =	ssyncadd.s32 $0xFFFFFFF0  }
0xcf: {  	s20 =	simm.s32 @!p0 $0xE890;
	[bflag:$0x0] =	sbarrier.arrive $0xFFFF  }
0xd0: {  	[tilespmem:s20], [sflag:$0x2] =	stream.linear.gather @!p0 [spmem:s1], $0x100, $0x38;
	[tilespmem:$0xEA10] =	vst v63  }
0xd1: {  	s20 =	simm.s32 @!p0 $0x2  }
0xd2: {  	_ =	swait.ge @!p0 [sflag:s20], $0x100  }
0xd3: {  	[sflag:s20] =	ssyncset.done @!p0 $0x0  }
0xd4: {  	[sflag:s20] =	ssyncadd.s32 @!p0 $0xFFFFFF00  }
0xd5: {  	v0 =	vld @!p0 [tilespmem:$0xE890]  }
0xd6: {  	v1 =	vld @!p0 [tilespmem:$0xE910]  }
0xd7: {  	v2 =	vld @!p0 [tilespmem:$0xE8A0]  }
0xd8: {  	v3 =	vld @!p0 [tilespmem:$0xE920]  }
0xd9: {  	v4 =	vld @!p0 [tilespmem:$0xE8B0]  }
0xda: {  	v5 =	vld @!p0 [tilespmem:$0xE930];
	v0 =	vadd.f32 @!p0 $0.0e+00, v0  }
0xdb: {  	v6 =	vld @!p0 [tilespmem:$0xE8C0];
	v1 =	vadd.f32 @!p0 $0.0e+00, v1  }
0xdc: {  	v0 =	vadd.f32 @!p0 v2, v0;
	v2 =	vld @!p0 [tilespmem:$0xE940]  }
0xdd: {  	v7 =	vld @!p0 [tilespmem:$0xE8D0];
	v1 =	vadd.f32 @!p0 v3, v1  }
0xde: {  	v3 =	vld @!p0 [tilespmem:$0xE950];
	v0 =	vadd.f32 @!p0 v4, v0  }
0xdf: {  	v4 =	vld @!p0 [tilespmem:$0xE8E0];
	v1 =	vadd.f32 @!p0 v5, v1  }
0xe0: {  	v5 =	vld @!p0 [tilespmem:$0xE960];
	v0 =	vadd.f32 @!p0 v6, v0  }
0xe1: {  	v6 =	vld @!p0 [tilespmem:$0xE8F0];
	v1 =	vadd.f32 @!p0 v2, v1  }
0xe2: {  	v2 =	vld @!p0 [tilespmem:$0xE970];
	v0 =	vadd.f32 @!p0 v7, v0  }
0xe3: {  	v7 =	vld @!p0 [tilespmem:$0xE900];
	v1 =	vadd.f32 @!p0 v3, v1  }
0xe4: {  	v3 =	vld @!p0 [tilespmem:$0xE980];
	v0 =	vadd.f32 @!p0 v4, v0  }
0xe5: {  	v1 =	vadd.f32 @!p0 v5, v1  }
0xe6: {  	v0 =	vadd.f32 @!p0 v6, v0  }
0xe7: {  	v1 =	vadd.f32 @!p0 v2, v1  }
0xe8: {  	v0 =	vadd.f32 @!p0 v7, v0  }
0xe9: {  	s19 =	sadd.s32 $0x1, s19;
	v1 =	vadd.f32 @!p0 v3, v1  }
0xea: {  	p1 =	sne.s32 s19, s9;
	[tilespmem:$0xE990] =	vst @!p0 v0  }
.Ltmp2:
0xeb: {  	s21 =	simm.s32 @!p0 $0x0;
	s22 =	simm.s32 @!p0 $0xE990;
	[tilespmem:$0xE9A0] =	vst @!p0 v1;
	(pc) =	sbr.rel @p1 .LBB2_1-.Ltmp2, $4  }
0xec: {  	[hbm4b:s8+s21] =	stream.linear.scatter @!p0 [tilespmem:s22], [sflag:$0x2], $0x20, $0x38;
	[tilespmem:$0xEA10] =	vst v63  }
0xed: {  	_ =	swait.ge @!p0 [sflag:s20], $0x20  }
0xee: {  	[sflag:s20] =	ssyncset.done @!p0 $0x0  }
0xef: {  	[sflag:s20] =	ssyncadd.s32 @!p0 $0xFFFFFFE0  }
0xf0: {  	_ =	sfence.sel $0x180000  }
0xf1: {  	[bflag:$0x0] =	sbarrier.arrive $0xFFFF  }
0xf2: {  	_ =	strace $0x90000047  }
0xf3: {  	s0 =	sadd.s32 @!p0 $0x100000, s0;
	[bflag:$0x2] =	sbarrier.arrive $0xFFFF  }
0xf4: {  	[sflag:s0] =	ssyncadd.tile.s32 @!p0 $0x1;
	_ =	shalt  }
.Lfunc_end2:
_tile_overlayer_lowered:
.L_overlay_start_2:
0xf5: {  	(tag) =	ssettag $0x2  }
0xf6: {  	s0 =	rddreg [dreg:$0x0];
	s2 =	stileid.u32  }
0xf7: {  	s1 =	rddreg [dreg:$0x1];
	p0 =	sne.s32 s2, $0x0  }
0xf8: {  	s3 =	rddreg [dreg:$0x2];
	[bflag:$0x3] =	sbarrier.arrive $0xFFFF;
	s2 =	simm.s32 @!p0 $0x1C02  }
0xf9: {  	[timem:s3], [sflag:s2] =	dma.local @!p0 [hbm:s0], s1  }
0xfa: {  	s0 =	simm.s32 @!p0 $0x2  }
0xfb: {  	_ =	swait.ge @!p0 [sflag:s0], s1  }
0xfc: {  	s1 =	ssub.s32 @!p0 $0x0, s1;
	[sflag:s0] =	ssyncset.done @!p0 $0x0  }
0xfd: {  	[sflag:s0] =	ssyncadd.s32 @!p0 s1  }
0xfe: {  	[bflag:$0x3] =	sbarrier.arrive $0xFFFF  }
0xff: {  	_ =	shalt  }

</sc_bundles>
